<compile_context>
chip_gen: v7x
topology: tpu7x:2x2x1
jax: 0.10.2.dev20260603
libtpu: 0.0.44.dev20260713+nightly
codegen_flags: <defaults>
</compile_context>

<pallas_src>
import jax
import jax.numpy as jnp
from jax import lax
from jax.experimental import pallas as pl
from jax.experimental.pallas import tpu as pltpu
from jax.experimental.pallas import tpu_sc as plsc

NB = 32
NBINS = NB * NB
LANES = 16
NWORKERS = 32
TOTAL = 4 * 2048 * 2048
PER_WORKER = TOTAL // NWORKERS
CHUNK = 16384
NCHUNKS = PER_WORKER // CHUNK
VECS = CHUNK // LANES
UNROLL = 16
HIST_WORDS = LANES * NBINS

_MAGIC = 12582912.0
_MAGIC_BITS = 0x4B400000
_BIAS = ((-((_MAGIC_BITS << 5) + _MAGIC_BITS)) % (1 << 32))


ROWS_PER_WORKER = PER_WORKER // 2048
ROWS_PER_CHUNK = CHUNK // 2048
WORKERS_PER_IMAGE = (2048 * 2048) // PER_WORKER


def _sc_hist_kernel(i_hbm, j_hbm, out_hbm,
                    ib0, jb0, ib1, jb1, hist, hist2, sem0, sem1):
    wid = lax.axis_index("s") * 2 + lax.axis_index("c")
    img = wid // WORKERS_PER_IMAGE
    row0 = (wid % WORKERS_PER_IMAGE) * ROWS_PER_WORKER

    ones = jnp.ones((LANES,), jnp.float32)
    zeros = jnp.zeros((LANES,), jnp.float32)
    scale = jnp.float32(31.0 / 255.0)
    mlane = (lax.iota(jnp.int32, LANES) * NBINS).astype(jnp.float32) + jnp.float32(_MAGIC)
    bias = jnp.int32(_BIAS)

    @plsc.parallel_loop(0, HIST_WORDS // LANES, unroll=4)
    def zero_body(i):
        hist[pl.ds(i * LANES, LANES)] = zeros
        hist2[pl.ds(i * LANES, LANES)] = zeros

    bufs = ((ib0, jb0, sem0), (ib1, jb1, sem1))
    VECS_PER_ROW = 2048 // LANES

    def issue(b, c):
        ib, jb, sem = bufs[b]
        r = row0 + c * ROWS_PER_CHUNK
        pltpu.async_copy(i_hbm.at[img, 0, pl.ds(r, ROWS_PER_CHUNK), :], ib, sem)
        pltpu.async_copy(j_hbm.at[img, 0, pl.ds(r, ROWS_PER_CHUNK), :], jb, sem)

    issue(0, 0)
    issue(1, 1)

    def chunk_pair(cc, carry):
        for b in range(2):
            c = cc * 2 + b
            ib, jb, sem = bufs[b]
            pltpu.make_async_copy(
                i_hbm.at[img, 0, pl.ds(row0, ROWS_PER_CHUNK), :], ib, sem).wait()
            pltpu.make_async_copy(
                j_hbm.at[img, 0, pl.ds(row0, ROWS_PER_CHUNK), :], jb, sem).wait()

            @plsc.parallel_loop(0, VECS, step=2, unroll=8)
            def vec_body(kk):
                r = kk // VECS_PER_ROW
                col = (kk % VECS_PER_ROW) * LANES
                for t, hb in ((0, hist), (1, hist2)):
                    iv = ib[r, pl.ds(col + t * LANES, LANES)]
                    jv = jb[r, pl.ds(col + t * LANES, LANES)]
                    bi = plsc.bitcast(iv * scale + jnp.float32(_MAGIC), jnp.int32)
                    bj = plsc.bitcast(jv * scale + mlane, jnp.int32)
                    idx = (bi << 5) + bj + bias
                    plsc.addupdate_scatter(hb, [idx], ones)

            @pl.when(c + 2 < NCHUNKS)
            def _():
                issue(b, c + 2)
        return carry
    lax.fori_loop(0, NCHUNKS // 2, chunk_pair, 0)

    @plsc.parallel_loop(0, HIST_WORDS // LANES, unroll=4)
    def merge_body(i):
        o = i * LANES
        hist[pl.ds(o, LANES)] = hist[pl.ds(o, LANES)] + hist2[pl.ds(o, LANES)]

    pltpu.sync_copy(hist, out_hbm.at[pl.ds(wid * HIST_WORDS, HIST_WORDS)])


def _mi_kernel(x_ref, o_ref):
    x = x_ref[...]
    h = jnp.sum(x, axis=0, keepdims=True)
    total = jnp.sum(h)
    p = h / total

    col = lax.broadcasted_iota(jnp.int32, (NB, NBINS), 1)
    row = lax.broadcasted_iota(jnp.int32, (NB, NBINS), 0)
    mask_i = (col // NB) == row
    mask_j = (col % NB) == row

    pb = jnp.broadcast_to(p, (NB, NBINS))
    zero = jnp.zeros((), jnp.float32)
    i_prob = jnp.sum(jnp.where(mask_i, pb, zero), axis=1, keepdims=True)
    j_prob = jnp.sum(jnp.where(mask_j, pb, zero), axis=1, keepdims=True)
    log_i = jnp.log(i_prob + 1e-5)
    log_j = jnp.log(j_prob + 1e-5)
    log_i_k = jnp.sum(jnp.where(mask_i, jnp.broadcast_to(log_i, (NB, NBINS)), zero),
                      axis=0, keepdims=True)
    log_j_k = jnp.sum(jnp.where(mask_j, jnp.broadcast_to(log_j, (NB, NBINS)), zero),
                      axis=0, keepdims=True)
    mi = jnp.sum(p * (jnp.log(p + 1e-5) - log_i_k - log_j_k))
    o_ref[...] = jnp.broadcast_to(1.0 / (1.0 + jnp.exp(mi)), (1, 1))


@jax.jit
def kernel(I, J):
    mesh = plsc.VectorSubcoreMesh(core_axis_name="c", subcore_axis_name="s")
    parts = pl.kernel(
        _sc_hist_kernel,
        jax.ShapeDtypeStruct((NWORKERS * HIST_WORDS,), jnp.float32),
        mesh=mesh,
        scratch_types=[
            pltpu.VMEM((ROWS_PER_CHUNK, 2048), jnp.float32),
            pltpu.VMEM((ROWS_PER_CHUNK, 2048), jnp.float32),
            pltpu.VMEM((ROWS_PER_CHUNK, 2048), jnp.float32),
            pltpu.VMEM((ROWS_PER_CHUNK, 2048), jnp.float32),
            pltpu.VMEM((HIST_WORDS,), jnp.float32),
            pltpu.VMEM((HIST_WORDS,), jnp.float32),
            pltpu.SemaphoreType.DMA,
            pltpu.SemaphoreType.DMA,
        ],
        compiler_params=pltpu.CompilerParams(needs_layout_passes=False),
    )(I, J)

    x = parts.reshape(NWORKERS * LANES, NBINS)
    out = pl.pallas_call(
        _mi_kernel,
        out_shape=jax.ShapeDtypeStruct((1, 1), jnp.float32),
    )(x)
    return out.reshape(())

# --- scband reference (transcript-rebuilt; emitter-appended) ---
"""Pipeline reference for scband-lmi-87789131530707 (READ-ONLY COPY).

The authoritative reference and input builder live on the scoring server;
editing this copy changes nothing except your own understanding.
"""

import jax, jax.numpy as jnp
import numpy as np

NUM_BINS = 32


def setup_inputs(seed: int = 0) -> dict:
    key = jax.random.key(seed)
    k1, k2 = jax.random.split(key)
    shape = (4, 1, 2048, 2048)
    I = jax.random.uniform(k1, shape, dtype=jnp.float32) * 255.0
    J = jax.random.uniform(k2, shape, dtype=jnp.float32) * 255.0
    return {"I": I, "J": J}


def reference(I, J):
    nb = NUM_BINS
    In = I / 255.0
    Jn = J / 255.0
    Ii = jnp.round(In * (nb - 1))
    Ji = jnp.round(Jn * (nb - 1))
    # joint_hist[i, j] = sum((I == i) * (J == j)); equivalent to a scatter-add
    # of 1.0 at integer bin coordinates (I, J are integer-valued after round).
    ii = Ii.astype(jnp.int32).ravel()
    jj = Ji.astype(jnp.int32).ravel()
    joint_hist = jnp.zeros((nb, nb), dtype=jnp.float32).at[ii, jj].add(1.0)
    joint_prob = joint_hist / jnp.sum(joint_hist)
    I_prob = jnp.sum(joint_prob, axis=1)
    J_prob = jnp.sum(joint_prob, axis=0)
    mutual_info = jnp.sum(
        joint_prob
        * (
            jnp.log(joint_prob + 1e-05)
            - jnp.log(I_prob[:, None] + 1e-05)
            - jnp.log(J_prob[None, :] + 1e-05)
        )
    )
    normalized_loss = jax.nn.sigmoid(-mutual_info)
    return normalized_loss

if __name__ == "__main__":
    import jax
    _d = setup_inputs()
    print(jax.jit(kernel)(*tuple(_d.values())))

</pallas_src>

<mosaic_0001>
#map = affine_map<(d0, d1) -> (0, 0, 0, 0)>
#map1 = affine_map<(d0, d1) -> (0)>
module attributes {stable_mosaic.version = 14 : i64} {
  func.func @_sc_hist_kernel(%arg0: i32, %arg1: i32, %arg2: memref<4x1x2048x2048xf32, #tpu.memory_space<hbm>>, %arg3: memref<4x1x2048x2048xf32, #tpu.memory_space<hbm>>, %arg4: memref<524288xf32, #tpu.memory_space<hbm>>, %arg5: memref<8x2048xf32, #tpu.memory_space<vmem>>, %arg6: memref<8x2048xf32, #tpu.memory_space<vmem>>, %arg7: memref<8x2048xf32, #tpu.memory_space<vmem>>, %arg8: memref<8x2048xf32, #tpu.memory_space<vmem>>, %arg9: memref<16384xf32, #tpu.memory_space<vmem>>, %arg10: memref<16384xf32, #tpu.memory_space<vmem>>, %arg11: memref<!tpu.dma_semaphore, #tpu.memory_space<semaphore_mem>>, %arg12: memref<!tpu.dma_semaphore, #tpu.memory_space<semaphore_mem>>) attributes {dimension_semantics = [#tpu.dimension_semantics<core_parallel>, #tpu.dimension_semantics<subcore_parallel>], iteration_bounds = array<i64: 2, 16>, scalar_prefetch = 0 : i64, scratch_operands = 8 : i64, tpu.core_type = #tpu.core_type<sc_vector_subcore>, window_params = [{transform_indices = #map}, {transform_indices = #map}, {transform_indices = #map1}]} {
    %mul3A = arith.constant 2 : i32
    %mul3A_0 = arith.muli %arg1, %mul3A : i32
    %add3A = arith.addi %mul3A_0, %arg0 : i32
    %jit3A = arith.constant 8 : i32
    %div3A = arith.divsi %add3A, %jit3A : i32
    %sign3A = arith.constant 0 : i32
    %sign3A_1 = arith.cmpi sgt, %add3A, %sign3A : i32
    %sign3A_2 = arith.extui %sign3A_1 : i1 to i32
    %sign3A_3 = arith.constant 0 : i32
    %sign3A_4 = arith.cmpi slt, %add3A, %sign3A_3 : i32
    %sign3A_5 = arith.extui %sign3A_4 : i1 to i32
    %sign3A_6 = arith.subi %sign3A_2, %sign3A_5 : i32
    %sign3A_7 = arith.constant 0 : i32
    %sign3A_8 = arith.cmpi sgt, %jit3A, %sign3A_7 : i32
    %sign3A_9 = arith.extui %sign3A_8 : i1 to i32
    %sign3A_10 = arith.constant 0 : i32
    %sign3A_11 = arith.cmpi slt, %jit3A, %sign3A_10 : i32
    %sign3A_12 = arith.extui %sign3A_11 : i1 to i32
    %sign3A_13 = arith.subi %sign3A_9, %sign3A_12 : i32
    %ne3A = arith.cmpi ne, %sign3A_6, %sign3A_13 : i32
    %rem3A = arith.remsi %add3A, %jit3A : i32
    %ne3A_14 = arith.constant 0 : i32
    %ne3A_15 = arith.cmpi ne, %rem3A, %ne3A_14 : i32
    %and3A = arith.andi %ne3A, %ne3A_15 : i1
    %sub3A = arith.constant 1 : i32
    %sub3A_16 = arith.subi %div3A, %sub3A : i32
    %select_n3A = arith.select %and3A, %sub3A_16, %div3A : i32
    %jit3A_17 = arith.constant 8 : i32
    %eq3A = arith.constant 0 : i32
    %eq3A_18 = arith.cmpi eq, %jit3A_17, %eq3A : i32
    %jit3A_19 = arith.constant 1 : i32
    %select_n3A_20 = arith.select %eq3A_18, %jit3A_19, %jit3A_17 : i32
    %rem3A_21 = arith.remsi %add3A, %select_n3A_20 : i32
    %ne3A_22 = arith.constant 0 : i32
    %ne3A_23 = arith.cmpi ne, %rem3A_21, %ne3A_22 : i32
    %lt3A = arith.constant 0 : i32
    %lt3A_24 = arith.cmpi slt, %rem3A_21, %lt3A : i32
    %lt3A_25 = arith.constant 0 : i32
    %lt3A_26 = arith.cmpi slt, %select_n3A_20, %lt3A_25 : i32
    %ne3A_27 = arith.xori %lt3A_24, %lt3A_26 : i1
    %and3A_28 = arith.andi %ne3A_27, %ne3A_23 : i1
    %add3A_29 = arith.addi %rem3A_21, %select_n3A_20 : i32
    %select_n3A_30 = arith.select %and3A_28, %add3A_29, %rem3A_21 : i32
    %mul3A_31 = arith.constant 256 : i32
    %mul3A_32 = arith.muli %select_n3A_30, %mul3A_31 : i32
    %broadcast_in_dim3A = arith.constant 1.000000e+00 : f32
    %broadcast_in_dim3A_33 = vector.broadcast %broadcast_in_dim3A : f32 to vector<16xf32>
    %broadcast_in_dim3A_34 = arith.constant 0.000000e+00 : f32
    %broadcast_in_dim3A_35 = vector.broadcast %broadcast_in_dim3A_34 : f32 to vector<16xf32>
    %iota3A = tpu.iota {dimensions = array<i32: 0>} : vector<16xi32>
    %mul3A_36 = arith.constant 1024 : i32
    %mul3A_37 = vector.broadcast %mul3A_36 : i32 to vector<16xi32>
    %mul3A_38 = arith.muli %iota3A, %mul3A_37 : vector<16xi32>
    %convert_element_type3A = arith.sitofp %mul3A_38 : vector<16xi32> to vector<16xf32>
    %add3A_39 = arith.constant 0x4B400000 : f32
    %add3A_40 = vector.broadcast %add3A_39 : f32 to vector<16xf32>
    %add3A_41 = arith.addf %convert_element_type3A, %add3A_40 : vector<16xf32>
    %parallel_loop3A = arith.constant 0 : i32
    %parallel_loop3A_42 = arith.constant 1024 : i32
    %parallel_loop3A_43 = arith.constant 1 : i32
    scf.for %parallel_loop3A_87 = %parallel_loop3A to %parallel_loop3A_42 step %parallel_loop3A_43  : i32 {
      %parallel_loop3A_88 = arith.constant 16 : i32
      %parallel_loop3A_89 = arith.muli %parallel_loop3A_87, %parallel_loop3A_88 : i32
      %parallel_loop3A_90 = arith.index_cast %parallel_loop3A_89 : i32 to index
      %parallel_loop3A_91 = tpu.vector_load %arg9[%parallel_loop3A_90] {strides = array<i32>} : memref<16384xf32, #tpu.memory_space<vmem>>, vector<16xf32>,
      tpu.vector_store %arg9[%parallel_loop3A_90], %broadcast_in_dim3A_35 {strides = array<i32>} : memref<16384xf32, #tpu.memory_space<vmem>>, vector<16xf32>,
      %parallel_loop3A_92 = arith.constant 16 : i32
      %parallel_loop3A_93 = arith.muli %parallel_loop3A_87, %parallel_loop3A_92 : i32
      %parallel_loop3A_94 = arith.index_cast %parallel_loop3A_93 : i32 to index
      %parallel_loop3A_95 = tpu.vector_load %arg10[%parallel_loop3A_94] {strides = array<i32>} : memref<16384xf32, #tpu.memory_space<vmem>>, vector<16xf32>,
      tpu.vector_store %arg10[%parallel_loop3A_94], %broadcast_in_dim3A_35 {strides = array<i32>} : memref<16384xf32, #tpu.memory_space<vmem>>, vector<16xf32>,
    } {sc.loop_unroll_factor = 4 : i64, sc.parallel_access}
    %add3A_44 = arith.constant 0 : i32
    %add3A_45 = arith.addi %mul3A_32, %add3A_44 : i32
    %dma_start3A = arith.constant 0 : i32
    %dma_start3A_46 = arith.constant 0 : i32
    %dma_start3A_47 = tpu.memref_slice %arg2[%select_n3A, %dma_start3A, %add3A_45, %dma_start3A_46] : memref<4x1x2048x2048xf32, #tpu.memory_space<hbm>> -> memref<1x1x8x2048xf32, #tpu.memory_space<hbm>>
    %dma_start3A_48 = tpu.memref_squeeze %dma_start3A_47 : memref<1x1x8x2048xf32, #tpu.memory_space<hbm>> -> memref<8x2048xf32, #tpu.memory_space<hbm>>
    %dma_start3A_49 = arith.constant 0 : i32
    %dma_start3A_50 = tpu.memref_slice %arg2[%select_n3A, %dma_start3A, %add3A_45, %dma_start3A_49] : memref<4x1x2048x2048xf32, #tpu.memory_space<hbm>> -> memref<1x1x8x2048xf32, #tpu.memory_space<hbm>>
    %dma_start3A_51 = tpu.memref_squeeze %dma_start3A_50 : memref<1x1x8x2048xf32, #tpu.memory_space<hbm>> -> memref<8x2048xf32, #tpu.memory_space<hbm>>
    tpu.enqueue_dma source(%dma_start3A_51 : memref<8x2048xf32, #tpu.memory_space<hbm>>) target(%arg5 : memref<8x2048xf32, #tpu.memory_space<vmem>>) target_semaphore(%arg11 : memref<!tpu.dma_semaphore, #tpu.memory_space<semaphore_mem>>)
    %dma_start3A_52 = arith.constant 0 : i32
    %dma_start3A_53 = arith.constant 0 : i32
    %dma_start3A_54 = tpu.memref_slice %arg3[%select_n3A, %dma_start3A_52, %add3A_45, %dma_start3A_53] : memref<4x1x2048x2048xf32, #tpu.memory_space<hbm>> -> memref<1x1x8x2048xf32, #tpu.memory_space<hbm>>
    %dma_start3A_55 = tpu.memref_squeeze %dma_start3A_54 : memref<1x1x8x2048xf32, #tpu.memory_space<hbm>> -> memref<8x2048xf32, #tpu.memory_space<hbm>>
    %dma_start3A_56 = arith.constant 0 : i32
    %dma_start3A_57 = tpu.memref_slice %arg3[%select_n3A, %dma_start3A_52, %add3A_45, %dma_start3A_56] : memref<4x1x2048x2048xf32, #tpu.memory_space<hbm>> -> memref<1x1x8x2048xf32, #tpu.memory_space<hbm>>
    %dma_start3A_58 = tpu.memref_squeeze %dma_start3A_57 : memref<1x1x8x2048xf32, #tpu.memory_space<hbm>> -> memref<8x2048xf32, #tpu.memory_space<hbm>>
    tpu.enqueue_dma source(%dma_start3A_58 : memref<8x2048xf32, #tpu.memory_space<hbm>>) target(%arg6 : memref<8x2048xf32, #tpu.memory_space<vmem>>) target_semaphore(%arg11 : memref<!tpu.dma_semaphore, #tpu.memory_space<semaphore_mem>>)
    %add3A_59 = arith.constant 8 : i32
    %add3A_60 = arith.addi %mul3A_32, %add3A_59 : i32
    %dma_start3A_61 = arith.constant 0 : i32
    %dma_start3A_62 = arith.constant 0 : i32
    %dma_start3A_63 = tpu.memref_slice %arg2[%select_n3A, %dma_start3A_61, %add3A_60, %dma_start3A_62] : memref<4x1x2048x2048xf32, #tpu.memory_space<hbm>> -> memref<1x1x8x2048xf32, #tpu.memory_space<hbm>>
    %dma_start3A_64 = tpu.memref_squeeze %dma_start3A_63 : memref<1x1x8x2048xf32, #tpu.memory_space<hbm>> -> memref<8x2048xf32, #tpu.memory_space<hbm>>
    %dma_start3A_65 = arith.constant 0 : i32
    %dma_start3A_66 = tpu.memref_slice %arg2[%select_n3A, %dma_start3A_61, %add3A_60, %dma_start3A_65] : memref<4x1x2048x2048xf32, #tpu.memory_space<hbm>> -> memref<1x1x8x2048xf32, #tpu.memory_space<hbm>>
    %dma_start3A_67 = tpu.memref_squeeze %dma_start3A_66 : memref<1x1x8x2048xf32, #tpu.memory_space<hbm>> -> memref<8x2048xf32, #tpu.memory_space<hbm>>
    tpu.enqueue_dma source(%dma_start3A_67 : memref<8x2048xf32, #tpu.memory_space<hbm>>) target(%arg7 : memref<8x2048xf32, #tpu.memory_space<vmem>>) target_semaphore(%arg12 : memref<!tpu.dma_semaphore, #tpu.memory_space<semaphore_mem>>)
    %dma_start3A_68 = arith.constant 0 : i32
    %dma_start3A_69 = arith.constant 0 : i32
    %dma_start3A_70 = tpu.memref_slice %arg3[%select_n3A, %dma_start3A_68, %add3A_60, %dma_start3A_69] : memref<4x1x2048x2048xf32, #tpu.memory_space<hbm>> -> memref<1x1x8x2048xf32, #tpu.memory_space<hbm>>
    %dma_start3A_71 = tpu.memref_squeeze %dma_start3A_70 : memref<1x1x8x2048xf32, #tpu.memory_space<hbm>> -> memref<8x2048xf32, #tpu.memory_space<hbm>>
    %dma_start3A_72 = arith.constant 0 : i32
    %dma_start3A_73 = tpu.memref_slice %arg3[%select_n3A, %dma_start3A_68, %add3A_60, %dma_start3A_72] : memref<4x1x2048x2048xf32, #tpu.memory_space<hbm>> -> memref<1x1x8x2048xf32, #tpu.memory_space<hbm>>
    %dma_start3A_74 = tpu.memref_squeeze %dma_start3A_73 : memref<1x1x8x2048xf32, #tpu.memory_space<hbm>> -> memref<8x2048xf32, #tpu.memory_space<hbm>>
    tpu.enqueue_dma source(%dma_start3A_74 : memref<8x2048xf32, #tpu.memory_space<hbm>>) target(%arg8 : memref<8x2048xf32, #tpu.memory_space<vmem>>) target_semaphore(%arg12 : memref<!tpu.dma_semaphore, #tpu.memory_space<semaphore_mem>>)
    %scan3A = arith.constant 0 : i32
    %scan3A_75 = arith.constant 0.121568628 : f32
    %scan3A_76 = arith.constant 1287651328 : i32
    %scan3A_77 = arith.constant 0 : i32
    %scan3A_78 = arith.constant 16 : i32
    %scan3A_79 = arith.addi %scan3A_77, %scan3A_78 : i32
    %scan3A_80 = arith.constant 1 : i32
    scf.for %scan3A_87 = %scan3A_77 to %scan3A_79 step %scan3A_80  : i32 {
      %mul3A_88 = arith.constant 2 : i32
      %mul3A_89 = arith.muli %scan3A_87, %mul3A_88 : i32
      %add3A_90 = arith.constant 0 : i32
      %add3A_91 = arith.addi %mul3A_89, %add3A_90 : i32
      %dma_wait3A = arith.constant 0 : i32
      %dma_wait3A_92 = arith.constant 0 : i32
      %dma_wait3A_93 = tpu.memref_slice %arg2[%select_n3A, %dma_wait3A, %mul3A_32, %dma_wait3A_92] : memref<4x1x2048x2048xf32, #tpu.memory_space<hbm>> -> memref<1x1x8x2048xf32, #tpu.memory_space<hbm>>
      %dma_wait3A_94 = tpu.memref_squeeze %dma_wait3A_93 : memref<1x1x8x2048xf32, #tpu.memory_space<hbm>> -> memref<8x2048xf32, #tpu.memory_space<hbm>>
      %dma_wait3A_95 = arith.constant 0 : i32
      %dma_wait3A_96 = tpu.memref_slice %arg2[%select_n3A, %dma_wait3A, %mul3A_32, %dma_wait3A_95] : memref<4x1x2048x2048xf32, #tpu.memory_space<hbm>> -> memref<1x1x8x2048xf32, #tpu.memory_space<hbm>>
      %dma_wait3A_97 = tpu.memref_squeeze %dma_wait3A_96 : memref<1x1x8x2048xf32, #tpu.memory_space<hbm>> -> memref<8x2048xf32, #tpu.memory_space<hbm>>
      tpu.wait_dma2 semaphore(%arg11 : memref<!tpu.dma_semaphore, #tpu.memory_space<semaphore_mem>>) src(%dma_wait3A_97 : memref<8x2048xf32, #tpu.memory_space<hbm>>) dst(%arg5 : memref<8x2048xf32, #tpu.memory_space<vmem>>)
      %dma_wait3A_98 = arith.constant 0 : i32
      %dma_wait3A_99 = arith.constant 0 : i32
      %dma_wait3A_100 = tpu.memref_slice %arg3[%select_n3A, %dma_wait3A_98, %mul3A_32, %dma_wait3A_99] : memref<4x1x2048x2048xf32, #tpu.memory_space<hbm>> -> memref<1x1x8x2048xf32, #tpu.memory_space<hbm>>
      %dma_wait3A_101 = tpu.memref_squeeze %dma_wait3A_100 : memref<1x1x8x2048xf32, #tpu.memory_space<hbm>> -> memref<8x2048xf32, #tpu.memory_space<hbm>>
      %dma_wait3A_102 = arith.constant 0 : i32
      %dma_wait3A_103 = tpu.memref_slice %arg3[%select_n3A, %dma_wait3A_98, %mul3A_32, %dma_wait3A_102] : memref<4x1x2048x2048xf32, #tpu.memory_space<hbm>> -> memref<1x1x8x2048xf32, #tpu.memory_space<hbm>>
      %dma_wait3A_104 = tpu.memref_squeeze %dma_wait3A_103 : memref<1x1x8x2048xf32, #tpu.memory_space<hbm>> -> memref<8x2048xf32, #tpu.memory_space<hbm>>
      tpu.wait_dma2 semaphore(%arg11 : memref<!tpu.dma_semaphore, #tpu.memory_space<semaphore_mem>>) src(%dma_wait3A_104 : memref<8x2048xf32, #tpu.memory_space<hbm>>) dst(%arg6 : memref<8x2048xf32, #tpu.memory_space<vmem>>)
      %parallel_loop3A_105 = arith.constant 0 : i32
      %parallel_loop3A_106 = arith.constant 1024 : i32
      %parallel_loop3A_107 = arith.constant 2 : i32
      scf.for %parallel_loop3A_142 = %parallel_loop3A_105 to %parallel_loop3A_106 step %parallel_loop3A_107  : i32 {
        %parallel_loop3A_143 = arith.constant 128 : i32
        %parallel_loop3A_144 = arith.divsi %parallel_loop3A_142, %parallel_loop3A_143 : i32
        %parallel_loop3A_145 = arith.constant 0 : i32
        %parallel_loop3A_146 = arith.cmpi sgt, %parallel_loop3A_142, %parallel_loop3A_145 : i32
        %parallel_loop3A_147 = arith.extui %parallel_loop3A_146 : i1 to i32
        %parallel_loop3A_148 = arith.constant 0 : i32
        %parallel_loop3A_149 = arith.cmpi slt, %parallel_loop3A_142, %parallel_loop3A_148 : i32
        %parallel_loop3A_150 = arith.extui %parallel_loop3A_149 : i1 to i32
        %parallel_loop3A_151 = arith.subi %parallel_loop3A_147, %parallel_loop3A_150 : i32
        %parallel_loop3A_152 = arith.constant 0 : i32
        %parallel_loop3A_153 = arith.cmpi sgt, %parallel_loop3A_143, %parallel_loop3A_152 : i32
        %parallel_loop3A_154 = arith.extui %parallel_loop3A_153 : i1 to i32
        %parallel_loop3A_155 = arith.constant 0 : i32
        %parallel_loop3A_156 = arith.cmpi slt, %parallel_loop3A_143, %parallel_loop3A_155 : i32
        %parallel_loop3A_157 = arith.extui %parallel_loop3A_156 : i1 to i32
        %parallel_loop3A_158 = arith.subi %parallel_loop3A_154, %parallel_loop3A_157 : i32
        %parallel_loop3A_159 = arith.cmpi ne, %parallel_loop3A_151, %parallel_loop3A_158 : i32
        %parallel_loop3A_160 = arith.remsi %parallel_loop3A_142, %parallel_loop3A_143 : i32
        %parallel_loop3A_161 = arith.constant 0 : i32
        %parallel_loop3A_162 = arith.cmpi ne, %parallel_loop3A_160, %parallel_loop3A_161 : i32
        %parallel_loop3A_163 = arith.andi %parallel_loop3A_159, %parallel_loop3A_162 : i1
        %parallel_loop3A_164 = arith.constant 1 : i32
        %parallel_loop3A_165 = arith.subi %parallel_loop3A_144, %parallel_loop3A_164 : i32
        %parallel_loop3A_166 = arith.select %parallel_loop3A_163, %parallel_loop3A_165, %parallel_loop3A_144 : i32
        %parallel_loop3A_167 = arith.constant 128 : i32
        %parallel_loop3A_168 = arith.constant 0 : i32
        %parallel_loop3A_169 = arith.cmpi eq, %parallel_loop3A_167, %parallel_loop3A_168 : i32
        %parallel_loop3A_170 = arith.constant 1 : i32
        %parallel_loop3A_171 = arith.select %parallel_loop3A_169, %parallel_loop3A_170, %parallel_loop3A_167 : i32
        %parallel_loop3A_172 = arith.remsi %parallel_loop3A_142, %parallel_loop3A_171 : i32
        %parallel_loop3A_173 = arith.constant 0 : i32
        %parallel_loop3A_174 = arith.cmpi ne, %parallel_loop3A_172, %parallel_loop3A_173 : i32
        %parallel_loop3A_175 = arith.constant 0 : i32
        %parallel_loop3A_176 = arith.cmpi slt, %parallel_loop3A_172, %parallel_loop3A_175 : i32
        %parallel_loop3A_177 = arith.constant 0 : i32
        %parallel_loop3A_178 = arith.cmpi slt, %parallel_loop3A_171, %parallel_loop3A_177 : i32
        %parallel_loop3A_179 = arith.xori %parallel_loop3A_176, %parallel_loop3A_178 : i1
        %parallel_loop3A_180 = arith.andi %parallel_loop3A_179, %parallel_loop3A_174 : i1
        %parallel_loop3A_181 = arith.addi %parallel_loop3A_172, %parallel_loop3A_171 : i32
        %parallel_loop3A_182 = arith.select %parallel_loop3A_180, %parallel_loop3A_181, %parallel_loop3A_172 : i32
        %parallel_loop3A_183 = arith.constant 16 : i32
        %parallel_loop3A_184 = arith.muli %parallel_loop3A_182, %parallel_loop3A_183 : i32
        %parallel_loop3A_185 = arith.constant 0 : i32
        %parallel_loop3A_186 = arith.addi %parallel_loop3A_184, %parallel_loop3A_185 : i32
        %parallel_loop3A_187 = arith.index_cast %parallel_loop3A_166 : i32 to index
        %parallel_loop3A_188 = arith.index_cast %parallel_loop3A_186 : i32 to index
        %parallel_loop3A_189 = tpu.vector_load %arg5[%parallel_loop3A_187, %parallel_loop3A_188] {strides = array<i32>} : memref<8x2048xf32, #tpu.memory_space<vmem>>, vector<16xf32>,
        %parallel_loop3A_190 = arith.constant 0 : i32
        %parallel_loop3A_191 = arith.addi %parallel_loop3A_184, %parallel_loop3A_190 : i32
        %parallel_loop3A_192 = arith.index_cast %parallel_loop3A_166 : i32 to index
        %parallel_loop3A_193 = arith.index_cast %parallel_loop3A_191 : i32 to index
        %parallel_loop3A_194 = tpu.vector_load %arg6[%parallel_loop3A_192, %parallel_loop3A_193] {strides = array<i32>} : memref<8x2048xf32, #tpu.memory_space<vmem>>, vector<16xf32>,
        %parallel_loop3A_195 = vector.broadcast %scan3A_75 : f32 to vector<16xf32>
        %parallel_loop3A_196 = arith.mulf %parallel_loop3A_189, %parallel_loop3A_195 : vector<16xf32>
        %parallel_loop3A_197 = arith.constant 0x4B400000 : f32
        %parallel_loop3A_198 = vector.broadcast %parallel_loop3A_197 : f32 to vector<16xf32>
        %parallel_loop3A_199 = arith.addf %parallel_loop3A_196, %parallel_loop3A_198 : vector<16xf32>
        %parallel_loop3A_200 = vector.bitcast %parallel_loop3A_199 : vector<16xf32> to vector<16xi32>
        %parallel_loop3A_201 = vector.broadcast %scan3A_75 : f32 to vector<16xf32>
        %parallel_loop3A_202 = arith.mulf %parallel_loop3A_194, %parallel_loop3A_201 : vector<16xf32>
        %parallel_loop3A_203 = arith.addf %parallel_loop3A_202, %add3A_41 : vector<16xf32>
        %parallel_loop3A_204 = vector.bitcast %parallel_loop3A_203 : vector<16xf32> to vector<16xi32>
        %parallel_loop3A_205 = arith.constant 5 : i32
        %parallel_loop3A_206 = vector.broadcast %parallel_loop3A_205 : i32 to vector<16xi32>
        %parallel_loop3A_207 = arith.shli %parallel_loop3A_200, %parallel_loop3A_206 : vector<16xi32>
        %parallel_loop3A_208 = arith.addi %parallel_loop3A_207, %parallel_loop3A_204 : vector<16xi32>
        %parallel_loop3A_209 = vector.broadcast %scan3A_76 : i32 to vector<16xi32>
        %parallel_loop3A_210 = arith.addi %parallel_loop3A_208, %parallel_loop3A_209 : vector<16xi32>
        tpu.vector_store_idx %arg9[%parallel_loop3A_210], %broadcast_in_dim3A_33 {add = true} : memref<16384xf32, #tpu.memory_space<vmem>>[vector<16xi32>], vector<16xf32>,
        %parallel_loop3A_211 = arith.constant 16 : i32
        %parallel_loop3A_212 = arith.addi %parallel_loop3A_184, %parallel_loop3A_211 : i32
        %parallel_loop3A_213 = arith.index_cast %parallel_loop3A_166 : i32 to index
        %parallel_loop3A_214 = arith.index_cast %parallel_loop3A_212 : i32 to index
        %parallel_loop3A_215 = tpu.vector_load %arg5[%parallel_loop3A_213, %parallel_loop3A_214] {strides = array<i32>} : memref<8x2048xf32, #tpu.memory_space<vmem>>, vector<16xf32>,
        %parallel_loop3A_216 = arith.constant 16 : i32
        %parallel_loop3A_217 = arith.addi %parallel_loop3A_184, %parallel_loop3A_216 : i32
        %parallel_loop3A_218 = arith.index_cast %parallel_loop3A_166 : i32 to index
        %parallel_loop3A_219 = arith.index_cast %parallel_loop3A_217 : i32 to index
        %parallel_loop3A_220 = tpu.vector_load %arg6[%parallel_loop3A_218, %parallel_loop3A_219] {strides = array<i32>} : memref<8x2048xf32, #tpu.memory_space<vmem>>, vector<16xf32>,
        %parallel_loop3A_221 = vector.broadcast %scan3A_75 : f32 to vector<16xf32>
        %parallel_loop3A_222 = arith.mulf %parallel_loop3A_215, %parallel_loop3A_221 : vector<16xf32>
        %parallel_loop3A_223 = arith.constant 0x4B400000 : f32
        %parallel_loop3A_224 = vector.broadcast %parallel_loop3A_223 : f32 to vector<16xf32>
        %parallel_loop3A_225 = arith.addf %parallel_loop3A_222, %parallel_loop3A_224 : vector<16xf32>
        %parallel_loop3A_226 = vector.bitcast %parallel_loop3A_225 : vector<16xf32> to vector<16xi32>
        %parallel_loop3A_227 = vector.broadcast %scan3A_75 : f32 to vector<16xf32>
        %parallel_loop3A_228 = arith.mulf %parallel_loop3A_220, %parallel_loop3A_227 : vector<16xf32>
        %parallel_loop3A_229 = arith.addf %parallel_loop3A_228, %add3A_41 : vector<16xf32>
        %parallel_loop3A_230 = vector.bitcast %parallel_loop3A_229 : vector<16xf32> to vector<16xi32>
        %parallel_loop3A_231 = arith.constant 5 : i32
        %parallel_loop3A_232 = vector.broadcast %parallel_loop3A_231 : i32 to vector<16xi32>
        %parallel_loop3A_233 = arith.shli %parallel_loop3A_226, %parallel_loop3A_232 : vector<16xi32>
        %parallel_loop3A_234 = arith.addi %parallel_loop3A_233, %parallel_loop3A_230 : vector<16xi32>
        %parallel_loop3A_235 = vector.broadcast %scan3A_76 : i32 to vector<16xi32>
        %parallel_loop3A_236 = arith.addi %parallel_loop3A_234, %parallel_loop3A_235 : vector<16xi32>
        tpu.vector_store_idx %arg10[%parallel_loop3A_236], %broadcast_in_dim3A_33 {add = true} : memref<16384xf32, #tpu.memory_space<vmem>>[vector<16xi32>], vector<16xf32>,
      } {sc.loop_unroll_factor = 8 : i64, sc.parallel_access}
      %add3A_108 = arith.constant 2 : i32
      %add3A_109 = arith.addi %add3A_91, %add3A_108 : i32
      %lt3A_110 = arith.constant 32 : i32
      %lt3A_111 = arith.cmpi slt, %add3A_109, %lt3A_110 : i32
      %convert_element_type3A_112 = arith.extui %lt3A_111 : i1 to i32
      %cond3A = arith.constant 0 : i32
      %cond3A_113 = arith.cmpi ne, %convert_element_type3A_112, %cond3A : i32
      scf.if %cond3A_113 {
        %add3A_142 = arith.constant 2 : i32
        %add3A_143 = arith.addi %add3A_91, %add3A_142 : i32
        %mul3A_144 = arith.constant 8 : i32
        %mul3A_145 = arith.muli %add3A_143, %mul3A_144 : i32
        %add3A_146 = arith.addi %mul3A_32, %mul3A_145 : i32
        %dma_start3A_147 = arith.constant 0 : i32
        %dma_start3A_148 = arith.constant 0 : i32
        %dma_start3A_149 = tpu.memref_slice %arg2[%select_n3A, %dma_start3A_147, %add3A_146, %dma_start3A_148] : memref<4x1x2048x2048xf32, #tpu.memory_space<hbm>> -> memref<1x1x8x2048xf32, #tpu.memory_space<hbm>>
        %dma_start3A_150 = tpu.memref_squeeze %dma_start3A_149 : memref<1x1x8x2048xf32, #tpu.memory_space<hbm>> -> memref<8x2048xf32, #tpu.memory_space<hbm>>
        %dma_start3A_151 = arith.constant 0 : i32
        %dma_start3A_152 = tpu.memref_slice %arg2[%select_n3A, %dma_start3A_147, %add3A_146, %dma_start3A_151] : memref<4x1x2048x2048xf32, #tpu.memory_space<hbm>> -> memref<1x1x8x2048xf32, #tpu.memory_space<hbm>>
        %dma_start3A_153 = tpu.memref_squeeze %dma_start3A_152 : memref<1x1x8x2048xf32, #tpu.memory_space<hbm>> -> memref<8x2048xf32, #tpu.memory_space<hbm>>
        tpu.enqueue_dma source(%dma_start3A_153 : memref<8x2048xf32, #tpu.memory_space<hbm>>) target(%arg5 : memref<8x2048xf32, #tpu.memory_space<vmem>>) target_semaphore(%arg11 : memref<!tpu.dma_semaphore, #tpu.memory_space<semaphore_mem>>)
        %dma_start3A_154 = arith.constant 0 : i32
        %dma_start3A_155 = arith.constant 0 : i32
        %dma_start3A_156 = tpu.memref_slice %arg3[%select_n3A, %dma_start3A_154, %add3A_146, %dma_start3A_155] : memref<4x1x2048x2048xf32, #tpu.memory_space<hbm>> -> memref<1x1x8x2048xf32, #tpu.memory_space<hbm>>
        %dma_start3A_157 = tpu.memref_squeeze %dma_start3A_156 : memref<1x1x8x2048xf32, #tpu.memory_space<hbm>> -> memref<8x2048xf32, #tpu.memory_space<hbm>>
        %dma_start3A_158 = arith.constant 0 : i32
        %dma_start3A_159 = tpu.memref_slice %arg3[%select_n3A, %dma_start3A_154, %add3A_146, %dma_start3A_158] : memref<4x1x2048x2048xf32, #tpu.memory_space<hbm>> -> memref<1x1x8x2048xf32, #tpu.memory_space<hbm>>
        %dma_start3A_160 = tpu.memref_squeeze %dma_start3A_159 : memref<1x1x8x2048xf32, #tpu.memory_space<hbm>> -> memref<8x2048xf32, #tpu.memory_space<hbm>>
        tpu.enqueue_dma source(%dma_start3A_160 : memref<8x2048xf32, #tpu.memory_space<hbm>>) target(%arg6 : memref<8x2048xf32, #tpu.memory_space<vmem>>) target_semaphore(%arg11 : memref<!tpu.dma_semaphore, #tpu.memory_space<semaphore_mem>>)
      } else {
      }
      %mul3A_114 = arith.constant 2 : i32
      %mul3A_115 = arith.muli %scan3A_87, %mul3A_114 : i32
      %add3A_116 = arith.constant 1 : i32
      %add3A_117 = arith.addi %mul3A_115, %add3A_116 : i32
      %dma_wait3A_118 = arith.constant 0 : i32
      %dma_wait3A_119 = arith.constant 0 : i32
      %dma_wait3A_120 = tpu.memref_slice %arg2[%select_n3A, %dma_wait3A_118, %mul3A_32, %dma_wait3A_119] : memref<4x1x2048x2048xf32, #tpu.memory_space<hbm>> -> memref<1x1x8x2048xf32, #tpu.memory_space<hbm>>
      %dma_wait3A_121 = tpu.memref_squeeze %dma_wait3A_120 : memref<1x1x8x2048xf32, #tpu.memory_space<hbm>> -> memref<8x2048xf32, #tpu.memory_space<hbm>>
      %dma_wait3A_122 = arith.constant 0 : i32
      %dma_wait3A_123 = tpu.memref_slice %arg2[%select_n3A, %dma_wait3A_118, %mul3A_32, %dma_wait3A_122] : memref<4x1x2048x2048xf32, #tpu.memory_space<hbm>> -> memref<1x1x8x2048xf32, #tpu.memory_space<hbm>>
      %dma_wait3A_124 = tpu.memref_squeeze %dma_wait3A_123 : memref<1x1x8x2048xf32, #tpu.memory_space<hbm>> -> memref<8x2048xf32, #tpu.memory_space<hbm>>
      tpu.wait_dma2 semaphore(%arg12 : memref<!tpu.dma_semaphore, #tpu.memory_space<semaphore_mem>>) src(%dma_wait3A_124 : memref<8x2048xf32, #tpu.memory_space<hbm>>) dst(%arg7 : memref<8x2048xf32, #tpu.memory_space<vmem>>)
      %dma_wait3A_125 = arith.constant 0 : i32
      %dma_wait3A_126 = arith.constant 0 : i32
      %dma_wait3A_127 = tpu.memref_slice %arg3[%select_n3A, %dma_wait3A_125, %mul3A_32, %dma_wait3A_126] : memref<4x1x2048x2048xf32, #tpu.memory_space<hbm>> -> memref<1x1x8x2048xf32, #tpu.memory_space<hbm>>
      %dma_wait3A_128 = tpu.memref_squeeze %dma_wait3A_127 : memref<1x1x8x2048xf32, #tpu.memory_space<hbm>> -> memref<8x2048xf32, #tpu.memory_space<hbm>>
      %dma_wait3A_129 = arith.constant 0 : i32
      %dma_wait3A_130 = tpu.memref_slice %arg3[%select_n3A, %dma_wait3A_125, %mul3A_32, %dma_wait3A_129] : memref<4x1x2048x2048xf32, #tpu.memory_space<hbm>> -> memref<1x1x8x2048xf32, #tpu.memory_space<hbm>>
      %dma_wait3A_131 = tpu.memref_squeeze %dma_wait3A_130 : memref<1x1x8x2048xf32, #tpu.memory_space<hbm>> -> memref<8x2048xf32, #tpu.memory_space<hbm>>
      tpu.wait_dma2 semaphore(%arg12 : memref<!tpu.dma_semaphore, #tpu.memory_space<semaphore_mem>>) src(%dma_wait3A_131 : memref<8x2048xf32, #tpu.memory_space<hbm>>) dst(%arg8 : memref<8x2048xf32, #tpu.memory_space<vmem>>)
      %parallel_loop3A_132 = arith.constant 0 : i32
      %parallel_loop3A_133 = arith.constant 1024 : i32
      %parallel_loop3A_134 = arith.constant 2 : i32
      scf.for %parallel_loop3A_142 = %parallel_loop3A_132 to %parallel_loop3A_133 step %parallel_loop3A_134  : i32 {
        %parallel_loop3A_143 = arith.constant 128 : i32
        %parallel_loop3A_144 = arith.divsi %parallel_loop3A_142, %parallel_loop3A_143 : i32
        %parallel_loop3A_145 = arith.constant 0 : i32
        %parallel_loop3A_146 = arith.cmpi sgt, %parallel_loop3A_142, %parallel_loop3A_145 : i32
        %parallel_loop3A_147 = arith.extui %parallel_loop3A_146 : i1 to i32
        %parallel_loop3A_148 = arith.constant 0 : i32
        %parallel_loop3A_149 = arith.cmpi slt, %parallel_loop3A_142, %parallel_loop3A_148 : i32
        %parallel_loop3A_150 = arith.extui %parallel_loop3A_149 : i1 to i32
        %parallel_loop3A_151 = arith.subi %parallel_loop3A_147, %parallel_loop3A_150 : i32
        %parallel_loop3A_152 = arith.constant 0 : i32
        %parallel_loop3A_153 = arith.cmpi sgt, %parallel_loop3A_143, %parallel_loop3A_152 : i32
        %parallel_loop3A_154 = arith.extui %parallel_loop3A_153 : i1 to i32
        %parallel_loop3A_155 = arith.constant 0 : i32
        %parallel_loop3A_156 = arith.cmpi slt, %parallel_loop3A_143, %parallel_loop3A_155 : i32
        %parallel_loop3A_157 = arith.extui %parallel_loop3A_156 : i1 to i32
        %parallel_loop3A_158 = arith.subi %parallel_loop3A_154, %parallel_loop3A_157 : i32
        %parallel_loop3A_159 = arith.cmpi ne, %parallel_loop3A_151, %parallel_loop3A_158 : i32
        %parallel_loop3A_160 = arith.remsi %parallel_loop3A_142, %parallel_loop3A_143 : i32
        %parallel_loop3A_161 = arith.constant 0 : i32
        %parallel_loop3A_162 = arith.cmpi ne, %parallel_loop3A_160, %parallel_loop3A_161 : i32
        %parallel_loop3A_163 = arith.andi %parallel_loop3A_159, %parallel_loop3A_162 : i1
        %parallel_loop3A_164 = arith.constant 1 : i32
        %parallel_loop3A_165 = arith.subi %parallel_loop3A_144, %parallel_loop3A_164 : i32
        %parallel_loop3A_166 = arith.select %parallel_loop3A_163, %parallel_loop3A_165, %parallel_loop3A_144 : i32
        %parallel_loop3A_167 = arith.constant 128 : i32
        %parallel_loop3A_168 = arith.constant 0 : i32
        %parallel_loop3A_169 = arith.cmpi eq, %parallel_loop3A_167, %parallel_loop3A_168 : i32
        %parallel_loop3A_170 = arith.constant 1 : i32
        %parallel_loop3A_171 = arith.select %parallel_loop3A_169, %parallel_loop3A_170, %parallel_loop3A_167 : i32
        %parallel_loop3A_172 = arith.remsi %parallel_loop3A_142, %parallel_loop3A_171 : i32
        %parallel_loop3A_173 = arith.constant 0 : i32
        %parallel_loop3A_174 = arith.cmpi ne, %parallel_loop3A_172, %parallel_loop3A_173 : i32
        %parallel_loop3A_175 = arith.constant 0 : i32
        %parallel_loop3A_176 = arith.cmpi slt, %parallel_loop3A_172, %parallel_loop3A_175 : i32
        %parallel_loop3A_177 = arith.constant 0 : i32
        %parallel_loop3A_178 = arith.cmpi slt, %parallel_loop3A_171, %parallel_loop3A_177 : i32
        %parallel_loop3A_179 = arith.xori %parallel_loop3A_176, %parallel_loop3A_178 : i1
        %parallel_loop3A_180 = arith.andi %parallel_loop3A_179, %parallel_loop3A_174 : i1
        %parallel_loop3A_181 = arith.addi %parallel_loop3A_172, %parallel_loop3A_171 : i32
        %parallel_loop3A_182 = arith.select %parallel_loop3A_180, %parallel_loop3A_181, %parallel_loop3A_172 : i32
        %parallel_loop3A_183 = arith.constant 16 : i32
        %parallel_loop3A_184 = arith.muli %parallel_loop3A_182, %parallel_loop3A_183 : i32
        %parallel_loop3A_185 = arith.constant 0 : i32
        %parallel_loop3A_186 = arith.addi %parallel_loop3A_184, %parallel_loop3A_185 : i32
        %parallel_loop3A_187 = arith.index_cast %parallel_loop3A_166 : i32 to index
        %parallel_loop3A_188 = arith.index_cast %parallel_loop3A_186 : i32 to index
        %parallel_loop3A_189 = tpu.vector_load %arg7[%parallel_loop3A_187, %parallel_loop3A_188] {strides = array<i32>} : memref<8x2048xf32, #tpu.memory_space<vmem>>, vector<16xf32>,
        %parallel_loop3A_190 = arith.constant 0 : i32
        %parallel_loop3A_191 = arith.addi %parallel_loop3A_184, %parallel_loop3A_190 : i32
        %parallel_loop3A_192 = arith.index_cast %parallel_loop3A_166 : i32 to index
        %parallel_loop3A_193 = arith.index_cast %parallel_loop3A_191 : i32 to index
        %parallel_loop3A_194 = tpu.vector_load %arg8[%parallel_loop3A_192, %parallel_loop3A_193] {strides = array<i32>} : memref<8x2048xf32, #tpu.memory_space<vmem>>, vector<16xf32>,
        %parallel_loop3A_195 = vector.broadcast %scan3A_75 : f32 to vector<16xf32>
        %parallel_loop3A_196 = arith.mulf %parallel_loop3A_189, %parallel_loop3A_195 : vector<16xf32>
        %parallel_loop3A_197 = arith.constant 0x4B400000 : f32
        %parallel_loop3A_198 = vector.broadcast %parallel_loop3A_197 : f32 to vector<16xf32>
        %parallel_loop3A_199 = arith.addf %parallel_loop3A_196, %parallel_loop3A_198 : vector<16xf32>
        %parallel_loop3A_200 = vector.bitcast %parallel_loop3A_199 : vector<16xf32> to vector<16xi32>
        %parallel_loop3A_201 = vector.broadcast %scan3A_75 : f32 to vector<16xf32>
        %parallel_loop3A_202 = arith.mulf %parallel_loop3A_194, %parallel_loop3A_201 : vector<16xf32>
        %parallel_loop3A_203 = arith.addf %parallel_loop3A_202, %add3A_41 : vector<16xf32>
        %parallel_loop3A_204 = vector.bitcast %parallel_loop3A_203 : vector<16xf32> to vector<16xi32>
        %parallel_loop3A_205 = arith.constant 5 : i32
        %parallel_loop3A_206 = vector.broadcast %parallel_loop3A_205 : i32 to vector<16xi32>
        %parallel_loop3A_207 = arith.shli %parallel_loop3A_200, %parallel_loop3A_206 : vector<16xi32>
        %parallel_loop3A_208 = arith.addi %parallel_loop3A_207, %parallel_loop3A_204 : vector<16xi32>
        %parallel_loop3A_209 = vector.broadcast %scan3A_76 : i32 to vector<16xi32>
        %parallel_loop3A_210 = arith.addi %parallel_loop3A_208, %parallel_loop3A_209 : vector<16xi32>
        tpu.vector_store_idx %arg9[%parallel_loop3A_210], %broadcast_in_dim3A_33 {add = true} : memref<16384xf32, #tpu.memory_space<vmem>>[vector<16xi32>], vector<16xf32>,
        %parallel_loop3A_211 = arith.constant 16 : i32
        %parallel_loop3A_212 = arith.addi %parallel_loop3A_184, %parallel_loop3A_211 : i32
        %parallel_loop3A_213 = arith.index_cast %parallel_loop3A_166 : i32 to index
        %parallel_loop3A_214 = arith.index_cast %parallel_loop3A_212 : i32 to index
        %parallel_loop3A_215 = tpu.vector_load %arg7[%parallel_loop3A_213, %parallel_loop3A_214] {strides = array<i32>} : memref<8x2048xf32, #tpu.memory_space<vmem>>, vector<16xf32>,
        %parallel_loop3A_216 = arith.constant 16 : i32
        %parallel_loop3A_217 = arith.addi %parallel_loop3A_184, %parallel_loop3A_216 : i32
        %parallel_loop3A_218 = arith.index_cast %parallel_loop3A_166 : i32 to index
        %parallel_loop3A_219 = arith.index_cast %parallel_loop3A_217 : i32 to index
        %parallel_loop3A_220 = tpu.vector_load %arg8[%parallel_loop3A_218, %parallel_loop3A_219] {strides = array<i32>} : memref<8x2048xf32, #tpu.memory_space<vmem>>, vector<16xf32>,
        %parallel_loop3A_221 = vector.broadcast %scan3A_75 : f32 to vector<16xf32>
        %parallel_loop3A_222 = arith.mulf %parallel_loop3A_215, %parallel_loop3A_221 : vector<16xf32>
        %parallel_loop3A_223 = arith.constant 0x4B400000 : f32
        %parallel_loop3A_224 = vector.broadcast %parallel_loop3A_223 : f32 to vector<16xf32>
        %parallel_loop3A_225 = arith.addf %parallel_loop3A_222, %parallel_loop3A_224 : vector<16xf32>
        %parallel_loop3A_226 = vector.bitcast %parallel_loop3A_225 : vector<16xf32> to vector<16xi32>
        %parallel_loop3A_227 = vector.broadcast %scan3A_75 : f32 to vector<16xf32>
        %parallel_loop3A_228 = arith.mulf %parallel_loop3A_220, %parallel_loop3A_227 : vector<16xf32>
        %parallel_loop3A_229 = arith.addf %parallel_loop3A_228, %add3A_41 : vector<16xf32>
        %parallel_loop3A_230 = vector.bitcast %parallel_loop3A_229 : vector<16xf32> to vector<16xi32>
        %parallel_loop3A_231 = arith.constant 5 : i32
        %parallel_loop3A_232 = vector.broadcast %parallel_loop3A_231 : i32 to vector<16xi32>
        %parallel_loop3A_233 = arith.shli %parallel_loop3A_226, %parallel_loop3A_232 : vector<16xi32>
        %parallel_loop3A_234 = arith.addi %parallel_loop3A_233, %parallel_loop3A_230 : vector<16xi32>
        %parallel_loop3A_235 = vector.broadcast %scan3A_76 : i32 to vector<16xi32>
        %parallel_loop3A_236 = arith.addi %parallel_loop3A_234, %parallel_loop3A_235 : vector<16xi32>
        tpu.vector_store_idx %arg10[%parallel_loop3A_236], %broadcast_in_dim3A_33 {add = true} : memref<16384xf32, #tpu.memory_space<vmem>>[vector<16xi32>], vector<16xf32>,
      } {sc.loop_unroll_factor = 8 : i64, sc.parallel_access}
      %add3A_135 = arith.constant 2 : i32
      %add3A_136 = arith.addi %add3A_117, %add3A_135 : i32
      %lt3A_137 = arith.constant 32 : i32
      %lt3A_138 = arith.cmpi slt, %add3A_136, %lt3A_137 : i32
      %convert_element_type3A_139 = arith.extui %lt3A_138 : i1 to i32
      %cond3A_140 = arith.constant 0 : i32
      %cond3A_141 = arith.cmpi ne, %convert_element_type3A_139, %cond3A_140 : i32
      scf.if %cond3A_141 {
        %add3A_142 = arith.constant 2 : i32
        %add3A_143 = arith.addi %add3A_117, %add3A_142 : i32
        %mul3A_144 = arith.constant 8 : i32
        %mul3A_145 = arith.muli %add3A_143, %mul3A_144 : i32
        %add3A_146 = arith.addi %mul3A_32, %mul3A_145 : i32
        %dma_start3A_147 = arith.constant 0 : i32
        %dma_start3A_148 = arith.constant 0 : i32
        %dma_start3A_149 = tpu.memref_slice %arg2[%select_n3A, %dma_start3A_147, %add3A_146, %dma_start3A_148] : memref<4x1x2048x2048xf32, #tpu.memory_space<hbm>> -> memref<1x1x8x2048xf32, #tpu.memory_space<hbm>>
        %dma_start3A_150 = tpu.memref_squeeze %dma_start3A_149 : memref<1x1x8x2048xf32, #tpu.memory_space<hbm>> -> memref<8x2048xf32, #tpu.memory_space<hbm>>
        %dma_start3A_151 = arith.constant 0 : i32
        %dma_start3A_152 = tpu.memref_slice %arg2[%select_n3A, %dma_start3A_147, %add3A_146, %dma_start3A_151] : memref<4x1x2048x2048xf32, #tpu.memory_space<hbm>> -> memref<1x1x8x2048xf32, #tpu.memory_space<hbm>>
        %dma_start3A_153 = tpu.memref_squeeze %dma_start3A_152 : memref<1x1x8x2048xf32, #tpu.memory_space<hbm>> -> memref<8x2048xf32, #tpu.memory_space<hbm>>
        tpu.enqueue_dma source(%dma_start3A_153 : memref<8x2048xf32, #tpu.memory_space<hbm>>) target(%arg7 : memref<8x2048xf32, #tpu.memory_space<vmem>>) target_semaphore(%arg12 : memref<!tpu.dma_semaphore, #tpu.memory_space<semaphore_mem>>)
        %dma_start3A_154 = arith.constant 0 : i32
        %dma_start3A_155 = arith.constant 0 : i32
        %dma_start3A_156 = tpu.memref_slice %arg3[%select_n3A, %dma_start3A_154, %add3A_146, %dma_start3A_155] : memref<4x1x2048x2048xf32, #tpu.memory_space<hbm>> -> memref<1x1x8x2048xf32, #tpu.memory_space<hbm>>
        %dma_start3A_157 = tpu.memref_squeeze %dma_start3A_156 : memref<1x1x8x2048xf32, #tpu.memory_space<hbm>> -> memref<8x2048xf32, #tpu.memory_space<hbm>>
        %dma_start3A_158 = arith.constant 0 : i32
        %dma_start3A_159 = tpu.memref_slice %arg3[%select_n3A, %dma_start3A_154, %add3A_146, %dma_start3A_158] : memref<4x1x2048x2048xf32, #tpu.memory_space<hbm>> -> memref<1x1x8x2048xf32, #tpu.memory_space<hbm>>
        %dma_start3A_160 = tpu.memref_squeeze %dma_start3A_159 : memref<1x1x8x2048xf32, #tpu.memory_space<hbm>> -> memref<8x2048xf32, #tpu.memory_space<hbm>>
        tpu.enqueue_dma source(%dma_start3A_160 : memref<8x2048xf32, #tpu.memory_space<hbm>>) target(%arg8 : memref<8x2048xf32, #tpu.memory_space<vmem>>) target_semaphore(%arg12 : memref<!tpu.dma_semaphore, #tpu.memory_space<semaphore_mem>>)
      } else {
      }
    }
    %scan3A_81 = arith.constant 16 : i32
    %parallel_loop3A_82 = arith.constant 0 : i32
    %parallel_loop3A_83 = arith.constant 1024 : i32
    %parallel_loop3A_84 = arith.constant 1 : i32
    scf.for %parallel_loop3A_87 = %parallel_loop3A_82 to %parallel_loop3A_83 step %parallel_loop3A_84  : i32 {
      %parallel_loop3A_88 = arith.constant 16 : i32
      %parallel_loop3A_89 = arith.muli %parallel_loop3A_87, %parallel_loop3A_88 : i32
      %parallel_loop3A_90 = arith.index_cast %parallel_loop3A_89 : i32 to index
      %parallel_loop3A_91 = tpu.vector_load %arg9[%parallel_loop3A_90] {strides = array<i32>} : memref<16384xf32, #tpu.memory_space<vmem>>, vector<16xf32>,
      %parallel_loop3A_92 = arith.index_cast %parallel_loop3A_89 : i32 to index
      %parallel_loop3A_93 = tpu.vector_load %arg10[%parallel_loop3A_92] {strides = array<i32>} : memref<16384xf32, #tpu.memory_space<vmem>>, vector<16xf32>,
      %parallel_loop3A_94 = arith.addf %parallel_loop3A_91, %parallel_loop3A_93 : vector<16xf32>
      %parallel_loop3A_95 = arith.index_cast %parallel_loop3A_89 : i32 to index
      %parallel_loop3A_96 = tpu.vector_load %arg9[%parallel_loop3A_95] {strides = array<i32>} : memref<16384xf32, #tpu.memory_space<vmem>>, vector<16xf32>,
      tpu.vector_store %arg9[%parallel_loop3A_95], %parallel_loop3A_94 {strides = array<i32>} : memref<16384xf32, #tpu.memory_space<vmem>>, vector<16xf32>,
    } {sc.loop_unroll_factor = 4 : i64, sc.parallel_access}
    %mul3A_85 = arith.constant 16384 : i32
    %mul3A_86 = arith.muli %add3A, %mul3A_85 : i32
    "tpu.region"() ({
      %run_scoped3A = tpu.sem_alloc : memref<!tpu.dma_semaphore, #tpu.memory_space<semaphore_mem>>
      %dma_start3A_87 = tpu.memref_slice %arg4[%mul3A_86] : memref<524288xf32, #tpu.memory_space<hbm>> -> memref<16384xf32, #tpu.memory_space<hbm>>
      %dma_start3A_88 = tpu.memref_slice %arg4[%mul3A_86] : memref<524288xf32, #tpu.memory_space<hbm>> -> memref<16384xf32, #tpu.memory_space<hbm>>
      tpu.enqueue_dma source(%arg9 : memref<16384xf32, #tpu.memory_space<vmem>>) target(%dma_start3A_88 : memref<16384xf32, #tpu.memory_space<hbm>>) target_semaphore(%run_scoped3A : memref<!tpu.dma_semaphore, #tpu.memory_space<semaphore_mem>>)
      %dma_wait3A = tpu.memref_slice %arg4[%mul3A_86] : memref<524288xf32, #tpu.memory_space<hbm>> -> memref<16384xf32, #tpu.memory_space<hbm>>
      %dma_wait3A_89 = tpu.memref_slice %arg4[%mul3A_86] : memref<524288xf32, #tpu.memory_space<hbm>> -> memref<16384xf32, #tpu.memory_space<hbm>>
      tpu.wait_dma2 semaphore(%run_scoped3A : memref<!tpu.dma_semaphore, #tpu.memory_space<semaphore_mem>>) src(%arg9 : memref<16384xf32, #tpu.memory_space<vmem>>) dst(%dma_wait3A_89 : memref<16384xf32, #tpu.memory_space<hbm>>)
      tpu.yield
    }) : () -> ()
    return
  }
}

module attributes {stable_mosaic.version = 14 : i64} {
  func.func @_mi_kernel(%arg0: memref<512x1024xf32, #tpu.memory_space<vmem>>, %arg1: memref<1x1xf32, #tpu.memory_space<vmem>>) attributes {dimension_semantics = [], scalar_prefetch = 0 : i64, scratch_operands = 0 : i64, tpu.core_type = #tpu.core_type<tc>} {
    %get3A = arith.constant 0 : index
    %get3A_0 = arith.constant 0 : index
    %get3A_1 = vector.load %arg0[%get3A, %get3A_0] : memref<512x1024xf32, #tpu.memory_space<vmem>>, vector<512x1024xf32>
    %reduce_sum3A = arith.constant dense<0.000000e+00> : vector<1024xf32>
    %reduce_sum3A_2 = vector.multi_reduction <add>, %get3A_1, %reduce_sum3A [0] : vector<512x1024xf32> to vector<1024xf32>
    %broadcast_in_dim3A = vector.shape_cast %reduce_sum3A_2 : vector<1024xf32> to vector<1x1024xf32>
    %reduce_sum3A_3 = vector.shape_cast %broadcast_in_dim3A : vector<1x1024xf32> to vector<1x1x1024xf32>
    %reduce_sum3A_4 = arith.constant dense<0.000000e+00> : vector<1xf32>
    %reduce_sum3A_5 = vector.multi_reduction <add>, %reduce_sum3A_3, %reduce_sum3A_4 [1, 2] : vector<1x1x1024xf32> to vector<1xf32>
    %reduce_sum3A_6 = vector.shape_cast %reduce_sum3A_5 : vector<1xf32> to vector<1x1x1xf32>
    %reduce_sum3A_7 = vector.extract %reduce_sum3A_6[0, 0, 0] : f32 from vector<1x1x1xf32>
    %div3A = vector.broadcast %reduce_sum3A_7 : f32 to vector<1x1024xf32>
    %div3A_8 = arith.divf %broadcast_in_dim3A, %div3A : vector<1x1024xf32>
    %iota3A = tpu.iota {dimensions = array<i32: 1>} : vector<32x1024xi32>
    %iota3A_9 = tpu.iota {dimensions = array<i32: 0>} : vector<32x1024xi32>
    %jit3A = arith.constant 32 : i32
    %div3A_10 = vector.broadcast %jit3A : i32 to vector<32x1024xi32>
    %div3A_11 = arith.divsi %iota3A, %div3A_10 : vector<32x1024xi32>
    %sign3A = arith.constant 0 : i32
    %sign3A_12 = vector.broadcast %sign3A : i32 to vector<32x1024xi32>
    %sign3A_13 = arith.cmpi sgt, %iota3A, %sign3A_12 : vector<32x1024xi32>
    %sign3A_14 = arith.extui %sign3A_13 : vector<32x1024xi1> to vector<32x1024xi32>
    %sign3A_15 = arith.constant 0 : i32
    %sign3A_16 = vector.broadcast %sign3A_15 : i32 to vector<32x1024xi32>
    %sign3A_17 = arith.cmpi slt, %iota3A, %sign3A_16 : vector<32x1024xi32>
    %sign3A_18 = arith.extui %sign3A_17 : vector<32x1024xi1> to vector<32x1024xi32>
    %sign3A_19 = arith.subi %sign3A_14, %sign3A_18 : vector<32x1024xi32>
    %sign3A_20 = arith.constant 0 : i32
    %sign3A_21 = arith.cmpi sgt, %jit3A, %sign3A_20 : i32
    %sign3A_22 = arith.extui %sign3A_21 : i1 to i32
    %sign3A_23 = arith.constant 0 : i32
    %sign3A_24 = arith.cmpi slt, %jit3A, %sign3A_23 : i32
    %sign3A_25 = arith.extui %sign3A_24 : i1 to i32
    %sign3A_26 = arith.subi %sign3A_22, %sign3A_25 : i32
    %ne3A = vector.broadcast %sign3A_26 : i32 to vector<32x1024xi32>
    %ne3A_27 = arith.cmpi ne, %sign3A_19, %ne3A : vector<32x1024xi32>
    %rem3A = vector.broadcast %jit3A : i32 to vector<32x1024xi32>
    %rem3A_28 = arith.remsi %iota3A, %rem3A : vector<32x1024xi32>
    %ne3A_29 = arith.constant 0 : i32
    %ne3A_30 = vector.broadcast %ne3A_29 : i32 to vector<32x1024xi32>
    %ne3A_31 = arith.cmpi ne, %rem3A_28, %ne3A_30 : vector<32x1024xi32>
    %and3A = arith.andi %ne3A_27, %ne3A_31 : vector<32x1024xi1>
    %sub3A = arith.constant 1 : i32
    %sub3A_32 = vector.broadcast %sub3A : i32 to vector<32x1024xi32>
    %sub3A_33 = arith.subi %div3A_11, %sub3A_32 : vector<32x1024xi32>
    %select_n3A = arith.select %and3A, %sub3A_33, %div3A_11 : vector<32x1024xi1>, vector<32x1024xi32>
    %eq3A = arith.cmpi eq, %select_n3A, %iota3A_9 : vector<32x1024xi32>
    %jit3A_34 = arith.constant 32 : i32
    %eq3A_35 = arith.constant 0 : i32
    %eq3A_36 = arith.cmpi eq, %jit3A_34, %eq3A_35 : i32
    %jit3A_37 = arith.constant 1 : i32
    %select_n3A_38 = arith.select %eq3A_36, %jit3A_37, %jit3A_34 : i32
    %rem3A_39 = vector.broadcast %select_n3A_38 : i32 to vector<32x1024xi32>
    %rem3A_40 = arith.remsi %iota3A, %rem3A_39 : vector<32x1024xi32>
    %ne3A_41 = arith.constant 0 : i32
    %ne3A_42 = vector.broadcast %ne3A_41 : i32 to vector<32x1024xi32>
    %ne3A_43 = arith.cmpi ne, %rem3A_40, %ne3A_42 : vector<32x1024xi32>
    %lt3A = arith.constant 0 : i32
    %lt3A_44 = vector.broadcast %lt3A : i32 to vector<32x1024xi32>
    %lt3A_45 = arith.cmpi slt, %rem3A_40, %lt3A_44 : vector<32x1024xi32>
    %lt3A_46 = arith.constant 0 : i32
    %lt3A_47 = arith.cmpi slt, %select_n3A_38, %lt3A_46 : i32
    %ne3A_48 = vector.broadcast %lt3A_47 : i1 to vector<32x1024xi1>
    %ne3A_49 = vector.broadcast %ne3A_48 : vector<32x1024xi1> to vector<32x1024xi1>
    %ne3A_50 = arith.xori %lt3A_45, %ne3A_49 : vector<32x1024xi1>
    %and3A_51 = arith.andi %ne3A_50, %ne3A_43 : vector<32x1024xi1>
    %add3A = vector.broadcast %select_n3A_38 : i32 to vector<32x1024xi32>
    %add3A_52 = arith.addi %rem3A_40, %add3A : vector<32x1024xi32>
    %select_n3A_53 = arith.select %and3A_51, %add3A_52, %rem3A_40 : vector<32x1024xi1>, vector<32x1024xi32>
    %eq3A_54 = arith.cmpi eq, %select_n3A_53, %iota3A_9 : vector<32x1024xi32>
    %broadcast_in_dim3A_55 = vector.shape_cast %div3A_8 : vector<1x1024xf32> to vector<1x1024xf32>
    %broadcast_in_dim3A_56 = vector.broadcast %broadcast_in_dim3A_55 : vector<1x1024xf32> to vector<32x1024xf32>
    %jit3A_57 = arith.constant 0.000000e+00 : f32
    %broadcast_in_dim3A_58 = vector.broadcast %jit3A_57 : f32 to vector<32x1024xf32>
    %select_n3A_59 = arith.select %eq3A, %broadcast_in_dim3A_56, %broadcast_in_dim3A_58 : vector<32x1024xi1>, vector<32x1024xf32>
    %reduce_sum3A_60 = arith.constant dense<0.000000e+00> : vector<32xf32>
    %reduce_sum3A_61 = vector.multi_reduction <add>, %select_n3A_59, %reduce_sum3A_60 [1] : vector<32x1024xf32> to vector<32xf32>
    %broadcast_in_dim3A_62 = vector.shape_cast %reduce_sum3A_61 : vector<32xf32> to vector<32x1xf32>
    %jit3A_63 = arith.constant 0.000000e+00 : f32
    %broadcast_in_dim3A_64 = vector.broadcast %jit3A_63 : f32 to vector<32x1024xf32>
    %select_n3A_65 = arith.select %eq3A_54, %broadcast_in_dim3A_56, %broadcast_in_dim3A_64 : vector<32x1024xi1>, vector<32x1024xf32>
    %reduce_sum3A_66 = arith.constant dense<0.000000e+00> : vector<32xf32>
    %reduce_sum3A_67 = vector.multi_reduction <add>, %select_n3A_65, %reduce_sum3A_66 [1] : vector<32x1024xf32> to vector<32xf32>
    %broadcast_in_dim3A_68 = vector.shape_cast %reduce_sum3A_67 : vector<32xf32> to vector<32x1xf32>
    %add3A_69 = arith.constant 9.99999974E-6 : f32
    %add3A_70 = vector.broadcast %add3A_69 : f32 to vector<32x1xf32>
    %add3A_71 = arith.addf %broadcast_in_dim3A_62, %add3A_70 : vector<32x1xf32>
    %log3A = math.log %add3A_71 : vector<32x1xf32>
    %add3A_72 = arith.constant 9.99999974E-6 : f32
    %add3A_73 = vector.broadcast %add3A_72 : f32 to vector<32x1xf32>
    %add3A_74 = arith.addf %broadcast_in_dim3A_68, %add3A_73 : vector<32x1xf32>
    %log3A_75 = math.log %add3A_74 : vector<32x1xf32>
    %broadcast_in_dim3A_76 = vector.shape_cast %log3A : vector<32x1xf32> to vector<32x1xf32>
    %broadcast_in_dim3A_77 = vector.broadcast %broadcast_in_dim3A_76 : vector<32x1xf32> to vector<32x1024xf32>
    %jit3A_78 = arith.constant 0.000000e+00 : f32
    %broadcast_in_dim3A_79 = vector.broadcast %jit3A_78 : f32 to vector<32x1024xf32>
    %select_n3A_80 = arith.select %eq3A, %broadcast_in_dim3A_77, %broadcast_in_dim3A_79 : vector<32x1024xi1>, vector<32x1024xf32>
    %reduce_sum3A_81 = arith.constant dense<0.000000e+00> : vector<1024xf32>
    %reduce_sum3A_82 = vector.multi_reduction <add>, %select_n3A_80, %reduce_sum3A_81 [0] : vector<32x1024xf32> to vector<1024xf32>
    %broadcast_in_dim3A_83 = vector.shape_cast %reduce_sum3A_82 : vector<1024xf32> to vector<1x1024xf32>
    %broadcast_in_dim3A_84 = vector.shape_cast %log3A_75 : vector<32x1xf32> to vector<32x1xf32>
    %broadcast_in_dim3A_85 = vector.broadcast %broadcast_in_dim3A_84 : vector<32x1xf32> to vector<32x1024xf32>
    %jit3A_86 = arith.constant 0.000000e+00 : f32
    %broadcast_in_dim3A_87 = vector.broadcast %jit3A_86 : f32 to vector<32x1024xf32>
    %select_n3A_88 = arith.select %eq3A_54, %broadcast_in_dim3A_85, %broadcast_in_dim3A_87 : vector<32x1024xi1>, vector<32x1024xf32>
    %reduce_sum3A_89 = arith.constant dense<0.000000e+00> : vector<1024xf32>
    %reduce_sum3A_90 = vector.multi_reduction <add>, %select_n3A_88, %reduce_sum3A_89 [0] : vector<32x1024xf32> to vector<1024xf32>
    %broadcast_in_dim3A_91 = vector.shape_cast %reduce_sum3A_90 : vector<1024xf32> to vector<1x1024xf32>
    %add3A_92 = arith.constant 9.99999974E-6 : f32
    %add3A_93 = vector.broadcast %add3A_92 : f32 to vector<1x1024xf32>
    %add3A_94 = arith.addf %div3A_8, %add3A_93 : vector<1x1024xf32>
    %log3A_95 = math.log %add3A_94 : vector<1x1024xf32>
    %sub3A_96 = arith.subf %log3A_95, %broadcast_in_dim3A_83 : vector<1x1024xf32>
    %sub3A_97 = arith.subf %sub3A_96, %broadcast_in_dim3A_91 : vector<1x1024xf32>
    %mul3A = arith.mulf %div3A_8, %sub3A_97 : vector<1x1024xf32>
    %reduce_sum3A_98 = vector.shape_cast %mul3A : vector<1x1024xf32> to vector<1x1x1024xf32>
    %reduce_sum3A_99 = arith.constant dense<0.000000e+00> : vector<1xf32>
    %reduce_sum3A_100 = vector.multi_reduction <add>, %reduce_sum3A_98, %reduce_sum3A_99 [1, 2] : vector<1x1x1024xf32> to vector<1xf32>
    %reduce_sum3A_101 = vector.shape_cast %reduce_sum3A_100 : vector<1xf32> to vector<1x1x1xf32>
    %reduce_sum3A_102 = vector.extract %reduce_sum3A_101[0, 0, 0] : f32 from vector<1x1x1xf32>
    %exp3A = math.exp %reduce_sum3A_102 : f32
    %add3A_103 = arith.constant 1.000000e+00 : f32
    %add3A_104 = arith.addf %add3A_103, %exp3A : f32
    %div3A_105 = arith.constant 1.000000e+00 : f32
    %div3A_106 = arith.divf %div3A_105, %add3A_104 : f32
    %broadcast_in_dim3A_107 = vector.broadcast %div3A_106 : f32 to vector<1x1xf32>
    %swap3A = arith.constant 0 : index
    %swap3A_108 = arith.constant 0 : index
    %swap3A_109 = vector.load %arg1[%swap3A, %swap3A_108] : memref<1x1xf32, #tpu.memory_space<vmem>>, vector<1x1xf32>
    tpu.vector_store %arg1[%swap3A, %swap3A_108], %broadcast_in_dim3A_107 {strides = array<i32>} : memref<1x1xf32, #tpu.memory_space<vmem>>, vector<1x1xf32>,
    return
  }
}

</mosaic_0001>

<sc_bundles>
// kernel: kernel.4.cloned.1.call-start
scs
__scs_entry_jumppad:
0x0: {  	(pc) =	sbr.rel $0x88, $3  }
0x1: {  	(tag) =	ssettag $0x0;
	lr =	simm.s32 $0x1  }
0x2: {  	[smem:$0x3F9F] =	sst lr;
	_ =	strace $0xD0000000  }
0x3: {  	_ = 	snop  }
0x4: {  	_ = 	snop  }
0x5: {  	_ = 	snop  }
0x6: {  	_ = 	snop  }
0x7: {  	_ = 	snop  }
__scs_overlays_trampoline_lowered:
0x8: {  	[smem:$0x3FAE] =	sst s0  }
0x9: {  	[smem:$0x3FAF] =	sst s1  }
0xa: {  	[smem:$0x3FB0] =	sst s2  }
0xb: {  	[smem:$0x3FB1] =	sst s3  }
0xc: {  	[smem:$0x3FB2] =	sst s4  }
0xd: {  	[smem:$0x3FB3] =	sst s5  }
0xe: {  	[smem:$0x3FB4] =	sst s6  }
0xf: {  	[smem:$0x3FB5] =	sst s7  }
0x10: {  	[smem:$0x3FB6] =	sst s8  }
0x11: {  	[smem:$0x3FB7] =	sst s9;
	s0 =	simm.s32 @!p0 $0x0  }
0x12: {  	s1 =	sld [smem:$0x3F9D];
	s0 =	simm.s32 @p0 $0x1  }
0x13: {  	[smem:$0x3FB8] =	sst s0;
	s0 =	simm.s32 @!p1 $0x0  }
0x14: {  	s2 =	sld [smem:$0x3F9C];
	s0 =	simm.s32 @p1 $0x1  }
0x15: {  	[smem:$0x3FB9] =	sst s0;
	s0 =	simm.s32 @!p2 $0x0  }
0x16: {  	s3 =	sld [smem:$0x3FDB];
	s0 =	simm.s32 @p2 $0x1  }
0x17: {  	s4 =	simm.s32 $0x1BF5;
	[smem:$0x3FBB] =	sst s0  }
0x18: {  	s0 =	sld [smem:$0x3F9E];
	_ =	swait.ge [sflag:s4], $0x0  }
0x19: {  	s7 =	sld [smem:$0x3F9F]  }
0x1a: {  	s8 =	sadd.s32 $0xFFFFE003, lr  }
0x1b: {  	s9 =	sadd.s32 $0xFFFFFEF7, lr;
	s5 =	simm.s32 $0xFFFFFFFF;
	p2 =	slt.u32 s8, $0xFFFFF086  }
0x1c: {  	p1 =	slt.u32 s9, $0xF7A;
	s5 =	simm.s32 @!p2 $0x0  }
0x1d: {  	s5 =	simm.s32 @p1 $0x1;
	p0 =	seq.s32 s7, s2  }
0x1e: {  	s7 =	smul.u32 @!p0 $0xF7A, s2;
	p2 =	seq.s32 @!p0 s5, $0x0  }
0x1f: {  	s9 =	smul.u32 $0xF7A, s1;
	s8 =	simm.s32 @!p0 $0x1BF5;
	p2 =	por !p2, p0  }
0x20: {  	[sflag:s8] =	ssyncset.s32 @!p0 $0xFFFFF086;
	s6 =	sadd.s32 @!p0 s3, s7;
	s7 =	simm.s32 @!p0 $0x108  }
0x21: {  	s3 =	sadd.s32 s3, s9;
	s6 =	sadd.s32 @!p0 $0x88, s6;
	s7 =	simm.s32 @p2 $0x1082  }
0x22: {  	[simem:s7], [sflag:s8] =	dma.local @!p0 [hbm:s6], $0xF7A  }
0x23: {  	s9 =	sor.u32 $0xD0000000, s2;
	s6 =	simm.s32 $0x108;
	_ =	swait.ge @!p0 [sflag:s8], $0x0  }
0x24: {  	s3 =	sadd.s32 $0x88, s3;
	s6 =	simm.s32 @!p1 $0x1082;
	[sflag:s4] =	ssyncset.s32 $0xFFFFF086  }
0x25: {  	[simem:s6], [sflag:s4] =	dma.local [hbm:s3], $0xF7A  }
0x26: {  	[smem:$0x3F9F] =	sst s1;
	(tag) =	ssettag s2;
	_ =	strace s9  }
0x27: {  	s1 =	sld [smem:$0x3FAF]  }
0x28: {  	s2 =	sld [smem:$0x3FB0]  }
0x29: {  	s4 =	sld [smem:$0x3FB2]  }
0x2a: {  	p0 =	seq.s32 s5, $0x0;
	s5 =	sld [smem:$0x3FB3]  }
0x2b: {  	s6 =	sld [smem:$0x3FB4]  }
0x2c: {  	s7 =	sld [smem:$0x3FB5]  }
0x2d: {  	s3 =	simm.s32 $0x108;
	s8 =	sld [smem:$0x3FB6]  }
0x2e: {  	s3 =	simm.s32 @!p0 $0x1082;
	s9 =	sld [smem:$0x3FB7]  }
0x2f: {  	lr =	sadd.s32 s0, s3;
	s0 =	sld [smem:$0x3FAE]  }
0x30: {  	s3 =	sld [smem:$0x3FB1]  }
0x31: {  	[smem:$0x3FBA] =	sst s10  }
0x32: {  	s10 =	sld [smem:$0x3FB8];
	_ =	sdelay $0x3  }
0x33: {  	p0 =	seq.s32 s10, $0x1;
	s10 =	sld [smem:$0x3FBA];
	_ =	sdelay $0x3  }
0x34: {  	[smem:$0x3FBA] =	sst s10  }
0x35: {  	s10 =	sld [smem:$0x3FB9];
	_ =	sdelay $0x3  }
0x36: {  	p1 =	seq.s32 s10, $0x1;
	s10 =	sld [smem:$0x3FBA];
	_ =	sdelay $0x3  }
0x37: {  	[smem:$0x3FBA] =	sst s10  }
0x38: {  	s10 =	sld [smem:$0x3FBB]  }
0x39: {  	_ = 	snop;
	(pc) =	sbr.ind lr, $3  }
0x3a: {  	_ = 	snop  }
0x3b: {  	_ = 	snop  }
0x3c: {  	p2 =	seq.s32 s10, $0x1;
	s10 =	sld [smem:$0x3FBA]  }
0x3d: {  	_ =	shalt  }
0x3e: {  	_ =	shalt  }
0x3f: {  	_ =	shalt  }
0x40: {  	_ =	shalt  }
0x41: {  	_ =	shalt  }
0x42: {  	_ =	shalt  }
0x43: {  	_ =	shalt  }
0x44: {  	_ =	shalt  }
0x45: {  	_ =	shalt  }
0x46: {  	_ =	shalt  }
0x47: {  	_ =	shalt  }
0x48: {  	_ =	shalt  }
0x49: {  	_ =	shalt  }
0x4a: {  	_ =	shalt  }
0x4b: {  	_ =	shalt  }
0x4c: {  	_ =	shalt  }
0x4d: {  	_ =	shalt  }
0x4e: {  	_ =	shalt  }
0x4f: {  	_ =	shalt  }
0x50: {  	_ =	shalt  }
0x51: {  	_ =	shalt  }
0x52: {  	_ =	shalt  }
0x53: {  	_ =	shalt  }
0x54: {  	_ =	shalt  }
0x55: {  	_ =	shalt  }
0x56: {  	_ =	shalt  }
0x57: {  	_ =	shalt  }
0x58: {  	_ =	shalt  }
0x59: {  	_ =	shalt  }
0x5a: {  	_ =	shalt  }
0x5b: {  	_ =	shalt  }
0x5c: {  	_ =	shalt  }
0x5d: {  	_ =	shalt  }
0x5e: {  	_ =	shalt  }
0x5f: {  	_ =	shalt  }
0x60: {  	_ =	shalt  }
0x61: {  	_ =	shalt  }
0x62: {  	_ =	shalt  }
0x63: {  	_ =	shalt  }
0x64: {  	_ =	shalt  }
0x65: {  	_ =	shalt  }
0x66: {  	_ =	shalt  }
0x67: {  	_ =	shalt  }
0x68: {  	_ =	shalt  }
0x69: {  	_ =	shalt  }
0x6a: {  	_ =	shalt  }
0x6b: {  	_ =	shalt  }
0x6c: {  	_ =	shalt  }
0x6d: {  	_ =	shalt  }
0x6e: {  	_ =	shalt  }
0x6f: {  	_ =	shalt  }
0x70: {  	_ =	shalt  }
0x71: {  	_ =	shalt  }
0x72: {  	_ =	shalt  }
0x73: {  	_ =	shalt  }
0x74: {  	_ =	shalt  }
0x75: {  	_ =	shalt  }
0x76: {  	_ =	shalt  }
0x77: {  	_ =	shalt  }
0x78: {  	_ =	shalt  }
0x79: {  	_ =	shalt  }
0x7a: {  	_ =	shalt  }
0x7b: {  	_ =	shalt  }
0x7c: {  	_ =	shalt  }
0x7d: {  	_ =	shalt  }
0x7e: {  	_ =	shalt  }
0x7f: {  	_ =	shalt  }
0x80: {  	_ =	shalt  }
0x81: {  	_ =	shalt  }
0x82: {  	_ =	shalt  }
0x83: {  	_ =	shalt  }
0x84: {  	_ =	shalt  }
0x85: {  	_ =	shalt  }
0x86: {  	_ =	shalt  }
0x87: {  	_ =	shalt  }
.Lfunc_end0:
.L_simem_size_0:
called_computation_lowered:
.L_overlay_start_0:
0x88: {  	s2 =	sld [smem:$0x3FD9]  }
0x89: {  	s3 =	sld [smem:$0x3FFE];
	_ =	sdelay $0x1  }
0x8a: {  	s1 =	srdreg.scid  }
0x8b: {  	s0 =	sand.u32 $0x1, s1  }
0x8c: {  	s17 =	sshll.u32 s0, $0xA;
	s2 =	sadd.s32 s3, s2  }
0x8d: {  	s2 =	sadd.s32 s2, s17  }
0x8e: {  	[smem:$0x3FC6] =	sst s2  }
0x8f: {  	_ = 	snop  }
0x90: {  	s2 =	sld [smem:$0x3FC9]  }
0x91: {  	s18 =	sld [smem:$0x3FC8];
	(tm) =	ssettm $0x1  }
0x92: {  	s4 =	sld [smem:$0x3FFB];
	_ =	sdelay $0x3  }
0x93: {  	_ =	strace s4  }
0x94: {  	s4 =	sld [smem:$0x3FFC];
	_ =	sdelay $0x3  }
0x95: {  	_ =	strace s4  }
0x96: {  	s4 =	sld [smem:$0x3FFD];
	_ =	sdelay $0x3  }
0x97: {  	_ =	strace s4  }
0x98: {  	_ =	strace $0x8FFFFFFF  }
0x99: {  	s19 =	sld [smem:$0x3FDB];
	_ =	sdelay $0x1  }
0x9a: {  	s5 =	simm.s32 $_scs_section_size  }
0x9b: {  	s6 =	simm.s32 $_size__tile_overlayer_lowered;
	s7 =	simm.s32 $_tile_overlayer_lowered  }
0x9c: {  	s22 =	simm.s32 $0x1BFF;
	s21 =	sshll.u32 s7, $0x1;
	s4 =	sadd.s32 s5, s19  }
0x9d: {  	s8 =	simm.s32 $0x0;
	s20 =	sshll.u32 s6, $0x1;
	s6 =	sadd.s32 s21, s4  }
0x9e: {  	[timem:s8], [sflag:s22] =	dma.local [hbm:s6], s20  }
0x9f: {  	_ =	swait.ge [sflag:s22], s20  }
0xa0: {  	s5 =	ssub.s32 $0x0, s20;
	[sflag:s22] =	ssyncset.done $0x0  }
0xa1: {  	[sflag:s22] =	ssyncadd.s32 s5;
	_ =	sdelay $0x1  }
0xa2: {  	s23 =	simm.s32 $0x1B8B  }
0xa3: {  	_ =	swait.ge [sflag:s23], $0x1  }
0xa4: {  	[sflag:s23] =	ssyncset.done $0x0  }
0xa5: {  	s25 =	simm.s32 $0x1B8E;
	s24 =	sld [smem:$0x3FFE];
	[sflag:s23] =	ssyncadd.s32 $0xFFFFFFFF  }
0xa6: {  	s26 =	simm.s32 $execute0_lowered;
	[smem:$0x3FD2] =	sst s25  }
0xa7: {  	s6 =	sshll.u32 s26, $0x1;
	_ =	strace $0x80000046;
	[dreg:$0x1] =	wrdreg $0xFFFFFFFF  }
0xa8: {  	s28 =	simm.s32 $_size_execute0_lowered;
	s4 =	sadd.s32 s4, s6;
	[dreg:$0x0] =	wrdreg $0x0  }
0xa9: {  	s6 =	sshll.u32 s28, $0x1;
	[dreg:$0x2] =	wrdreg s4  }
0xaa: {  	[dreg:$0x3] =	wrdreg s6  }
0xab: {  	[dreg:$0x4] =	wrdreg $0xC0  }
0xac: {  	_ =	task [dreg:s8], $0x5FFFF  }
0xad: {  	[dreg:$0x1] =	wrdreg $0xFFFFFFFF  }
0xae: {  	[dreg:$0x0] =	wrdreg $0x60  }
0xaf: {  	[dreg:$0x2] =	wrdreg s2  }
0xb0: {  	[dreg:$0x3] =	wrdreg s18  }
0xb1: {  	[dreg:$0x4] =	wrdreg s24  }
0xb2: {  	[dreg:$0x5] =	wrdreg $0x9  }
0xb3: {  	_ =	task.clear_ibuf [dreg:s8], $0x6FFFF;
	_ =	strace $0x90000046  }
0xb4: {  	s29 =	simm.s32 $0x9;
	_ =	strace $0x80000048  }
0xb5: {  	_ =	swait.ge [sflag:s29], $0x1  }
0xb6: {  	[sflag:s29] =	ssyncadd.s32 $0xFFFFFFFF  }
0xb7: {  	_ =	strace $0x90000048  }
0xb8: {  	_ =	sfence  }
0xb9: {  	s30 =	sld [smem:$0x0];
	_ =	sdelay $0x2  }
0xba: {  	s31 =	sshll.u32 s1, $0xD;
	s1 =	sshrl.u32 s1, $0x2  }
0xbb: {  	s3 =	sand.u32 $0x4000, s31;
	s1 =	sadd.s32 s1, s30  }
0xbc: {  	s0 =	sor.u32 s3, s0;
	s1 =	sshll.u32 s1, $0x11  }
0xbd: {  	s0 =	sor.u32 s1, s0  }
0xbe: {  	s0 =	sadd.s32 $0x8F2B, s0  }
0xbf: {  	[sflag:s0] =	ssyncadd.remote.s32 $0x1  }
0xc0: {  	_ =	sfence.sel $0xFFFF  }
0xc1: {  	[dreg:$0x0] =	wrdreg $0xFFFFFFFF;
	(pc) =	sbr.abs _section_cstart, $3  }
0xc2: {  	[dreg:$0x1] =	wrdreg $0xFFFFFFFF  }
0xc3: {  	_ =	task.clear_ibuf [dreg:s8], $0x2FFFF;
	_ =	strace $0x9FFFFFFF  }
0xc4: {  	(tm) =	ssettm $0x7FFFFFFF  }
0xc5: {  	_ =	shalt  }
tec
execute0_lowered:
.L_overlay_start_1:
0x0: {  	(tag) =	ssettag $0x1  }
0x1: {  	v0 =	vimm.f32 $1.259827200e+07;
	vm0 =	vcmask $0x300  }
0x2: {  	s0 =	rddreg [dreg:$0x0];
	vm14 =	vcmask $0x704;
	v0 =	vsel vm0, $0x4B400000, v0  }
0x3: {  	s2 =	rddreg [dreg:$0x1];
	vm15 =	vcmask $0xB08;
	v0 =	vsel vm14, $0x4B400400, v0  }
0x4: {  	s5 =	rddreg [dreg:$0x2];
	s4 =	simm.s32 $0x0;
	vm4 =	vcmask $0xF0C;
	v0 =	vsel vm15, $0x4B400800, v0  }
0x5: {  	s6 =	srdreg.scid;
	s1 =	stileid.u32;
	vm5 =	vcmask $0x1310;
	s14 =	simm.s32 $0x8000;
	v0 =	vsel vm4, $0x4B400C00, v0  }
0x6: {  	vm6 =	vcmask $0x1714;
	s15 =	simm.s32 $0xC000;
	s16 =	simm.s32 $0x1;
	s17 =	simm.s32 $0x10000;
	v0 =	vsel vm5, $0x4B401000, v0  }
0x7: {  	vm7 =	vcmask $0x1B18;
	s18 =	simm.s32 $0x14000;
	s19 =	simm.s32 $0x2;
	s20 =	simm.s32 $0x3;
	v0 =	vsel vm6, $0x4B401400, v0  }
0x8: {  	vm8 =	vcmask $0x1F1C;
	s21 =	simm.s32 $0x0;
	s6 =	sand.u32 $0x1, s6;
	s7 =	sshll.u32 s1, $0x1;
	v0 =	vsel vm7, $0x4B401800, v0  }
0x9: {  	vm9 =	vcmask $0x2320;
	[smem:$0x7FF] =	sst s4;
	s9 =	sshll.u32 s1, $0x14;
	s7 =	sor.u32 s6, s7;
	v0 =	vsel vm8, $0x4B401C00, v0  }
0xa: {  	vm10 =	vcmask $0x2724;
	_ =	strace $0x80000047;
	s6 =	ssub.s32 $0x2, s6;
	s8 =	sshll.u32 s7, $0x13;
	v0 =	vsel vm9, $0x4B402000, v0  }
0xb: {  	vm11 =	vcmask $0x2B28;
	s9 =	sand.u32 $0xC00000, s9;
	s7 =	sshll.u32 s7, $0xB;
	s8 =	sand.u32 $0x380000, s8;
	v0 =	vsel vm10, $0x4B402400, v0  }
0xc: {  	vm12 =	vcmask $0x2F2C;
	s10 =	sshrl.u32 s6, $0x1;
	s12 =	sadd.s32 s7, s5;
	s11 =	sor.u32 s9, s8;
	v0 =	vsel vm11, $0x4B402800, v0  }
0xd: {  	vm13 =	vcmask $0x3330;
	s13 =	ssub.s32 s6, s10;
	s30 =	sshrl.u32 s11, $0x3;
	s9 =	sor.u32 $0x8000, s11;
	v0 =	vsel vm12, $0x4B402C00, v0  }
0xe: {  	vm14 =	vcmask $0x3734;
	s10 =	sor.u32 $0xC000, s11;
	s11 =	sadd.s32 $0x400, s12;
	s12 =	smax.u32 s13, $0x1;
	v0 =	vsel vm13, $0x4B403000, v0  }
0xf: {  	vm15 =	vcmask $0x3B38;
	s13 =	simm.s32 $0x4000;
	s5 =	sadd.s32 s0, s30;
	s31 =	sor.u32 $0x800, s30;
	v1 =	vsel vm14, $0x4B403400, v0  }
0x10: {  	v2 =	vimm.f32 $1.000000000e+00;
	s6 =	sadd.s32 s2, s30;
	s7 =	sadd.s32 s0, s31;
	s8 =	sadd.s32 s2, s31;
	v0 =	vimm.f32 $0.0e+00;
	v1 =	vsel vm15, $0x4B403800, v1  }
.LBB2_1:
0x11: {  	s23 =	simm.s32 $0x10020  }
0x12: {  	[tilespmem:s23+$0xFFFFFFF0] =	vst v0  }
0x13: {  	[tilespmem:s23+$0x0] =	vst v0  }
0x14: {  	[tilespmem:s23+$0x10] =	vst v0  }
0x15: {  	s22 =	simm.s32 $0x14020;
	[tilespmem:s23+$0xFFFFFFE0] =	vst v0  }
0x16: {  	[tilespmem:s22+$0xFFFFFFF0] =	vst v0  }
0x17: {  	[tilespmem:s22+$0x0] =	vst v0  }
0x18: {  	[tilespmem:s22+$0x10] =	vst v0  }
0x19: {  	s24 =	simm.s32 $0x10060;
	s23 =	simm.s32 $0x0;
	[tilespmem:s22+$0xFFFFFFE0] =	vst v0  }
.LBB2_2:
0x1a: {  	[tilespmem:s24+$0xFFFFFFF0] =	vst v0;
	s22 =	sadd.s32 $0x40, s22  }
0x1b: {  	s23 =	sadd.s32 $0x4, s23;
	[tilespmem:s22+$0xFFFFFFF0] =	vst v0  }
0x1c: {  	p0 =	slt.u32 s23, $0x3FC;
	[tilespmem:s24+$0x0] =	vst v0  }
.Ltmp0:
0x1d: {  	[tilespmem:s22+$0x0] =	vst v0;
	(pc) =	sbr.rel @p0 .LBB2_2-.Ltmp0, $4  }
0x1e: {  	[tilespmem:s24+$0x10] =	vst v0  }
0x1f: {  	[tilespmem:s22+$0x10] =	vst v0  }
0x20: {  	[tilespmem:s24+$0xFFFFFFE0] =	vst v0  }
0x21: {  	s24 =	sadd.s32 $0x40, s24;
	[tilespmem:s22+$0xFFFFFFE0] =	vst v0  }
0x22: {  	s22 =	simm.s32 $0x0  }
0x23: {  	[tilespmem:s22], [sflag:$0x1] =	stream.linear.gather [hbm4b:s5+s22], $0x4000, $0x38;
	[tilespmem:$0x18000] =	vst v63  }
0x24: {  	_ = 	snop  }
0x25: {  	[tilespmem:s13], [sflag:$0x1] =	stream.linear.gather [hbm4b:s6+s22], $0x4000, $0x38;
	[tilespmem:$0x18000] =	vst v63  }
0x26: {  	_ = 	snop  }
0x27: {  	[tilespmem:s14], [sflag:$0x2] =	stream.linear.gather [hbm4b:s7+s22], $0x4000, $0x38;
	[tilespmem:$0x18000] =	vst v63  }
0x28: {  	s23 =	simm.s32 $0x0  }
0x29: {  	[tilespmem:s15], [sflag:$0x2] =	stream.linear.gather [hbm4b:s8+s22], $0x4000, $0x38;
	[tilespmem:$0x18000] =	vst v63  }
.LBB2_4:
0x2a: {  	_ =	swait.ge [sflag:s16], $0x4000  }
0x2b: {  	[sflag:s16] =	ssyncset.done $0x0  }
0x2c: {  	[sflag:s16] =	ssyncadd.s32 $0xFFFFC000  }
0x2d: {  	s25 =	simm.s32 $0x0;
	s29 =	sand.u32 $0x3800, s22;
	_ =	swait.ge [sflag:s16], $0x4000  }
0x2e: {  	s24 =	sand.u32 $0x380, s25;
	s28 =	sor.u32 $0x400, s29;
	[sflag:s16] =	ssyncset.done $0x0  }
0x2f: {  	s30 =	sor.u32 s28, s24;
	[sflag:s16] =	ssyncadd.s32 $0xFFFFC000  }
0x30: {  	v3 =	vld [tilespmem:s30+$0x60]  }
0x31: {  	s26 =	sor.u32 s24, s29;
	v4 =	vld [tilespmem:s30+$0x4060]  }
0x32: {  	v5 =	vld [tilespmem:s26+$0x0]  }
0x33: {  	v12 =	vld [tilespmem:s26+$0x4000];
	_ =	sdelay $0x1  }
0x34: {  	v6 =	vld [tilespmem:s26+$0x20]  }
0x35: {  	v8 =	vld [tilespmem:s26+$0x60];
	v3 =	vmul.f32 $1.215686280e-01, v3  }
0x36: {  	v14 =	vld [tilespmem:s26+$0x4060];
	v4 =	vmul.f32 $1.215686280e-01, v4;
	v5 =	vmul.f32 $1.215686280e-01, v5  }
0x37: {  	v7 =	vld [tilespmem:s26+$0x40];
	v12 =	vmul.f32 $1.215686280e-01, v12;
	v3 =	vadd.f32 $1.258291200e+07, v3  }
0x38: {  	v9 =	vld [tilespmem:s26+$0x400];
	v4 =	vadd.f32 v1, v4;
	v5 =	vadd.f32 $1.258291200e+07, v5  }
0x39: {  	v10 =	vld [tilespmem:s26+$0x420];
	v12 =	vadd.f32 v1, v12;
	v3 =	vshll.u32 v3, $0x5  }
0x3a: {  	v11 =	vld [tilespmem:s26+$0x440];
	v8 =	vmul.f32 $1.215686280e-01, v8;
	v5 =	vshll.u32 v5, $0x5;
	v3 =	vadd.s32 v4, v3  }
0x3b: {  	v13 =	vld [tilespmem:s26+$0x4020];
	v14 =	vmul.f32 $1.215686280e-01, v14;
	v5 =	vadd.s32 v12, v5;
	v3 =	vadd.s32 $0x4CC00000, v3  }
0x3c: {  	v15 =	vld [tilespmem:s26+$0x4400];
	v8 =	vadd.f32 $1.258291200e+07, v8;
	v5 =	vadd.s32 $0x4CC00000, v5  }
0x3d: {  	v16 =	vld [tilespmem:s26+$0x4420];
	v12 =	vadd.f32 v1, v14  }
0x3e: {  	v17 =	vld [tilespmem:s26+$0x4440];
	v8 =	vshll.u32 v8, $0x5  }
0x3f: {  	v4 =	vmul.f32 $1.215686280e-01, v6;
	v6 =	vmul.f32 $1.215686280e-01, v7;
	v7 =	vld [tilespmem:s26+$0x4040];
	v8 =	vadd.s32 v12, v8  }
0x40: {  	s1 =	sor.u32 s28, s25;
	v8 =	vadd.s32 $0x4CC00000, v8;
	[tilespmem:v3+s17+$0x0] =	vst.idx.add.f32.msk $0xffff, v2  }
0x41: {  	s24 =	sor.u32 $0x70, s1;
	[tilespmem:v5+s17+$0x0] =	vst.idx.add.f32.msk $0xffff, v2  }
0x42: {  	v3 =	vmul.f32 $1.215686280e-01, v13;
	v13 =	vld [tilespmem:s24+$0x0]  }
0x43: {  	v18 =	vld [tilespmem:s24+$0x4000]  }
0x44: {  	s28 =	simm.s32 $0x800;
	s29 =	sor.u32 s29, s25;
	v7 =	vmul.f32 $1.215686280e-01, v7;
	s24 =	simm.s32 $0x10;
	v60 =	vld [tilespmem:s26+$0x4010]  }
0x45: {  	s28 =	sand.u32 $0x3800, s28;
	s29 =	sor.u32 $0x70, s29;
	v6 =	vadd.f32 $1.258291200e+07, v6;
	s31 =	sand.u32 $0x380, s24;
	[tilespmem:v8+s17+$0x0] =	vst.idx.add.f32.msk $0xffff, v2  }
0x46: {  	v4 =	vadd.f32 $1.258291200e+07, v4;
	v7 =	vadd.f32 v1, v7;
	s25 =	sor.u32 s31, s28;
	v62 =	vld [tilespmem:s29+$0x4000]  }
0x47: {  	v15 =	vmul.f32 $1.215686280e-01, v15;
	v6 =	vshll.u32 v6, $0x5;
	v3 =	vadd.f32 v1, v3;
	v8 =	vld [tilespmem:s25+$0x0]  }
0x48: {  	v14 =	vmul.f32 $1.215686280e-01, v16;
	v4 =	vshll.u32 v4, $0x5;
	v6 =	vadd.s32 v7, v6;
	v16 =	vld [tilespmem:s25+$0x440]  }
0x49: {  	v3 =	vadd.s32 v3, v4;
	v4 =	vadd.f32 v1, v15;
	v15 =	vmul.f32 $1.215686280e-01, v17;
	v17 =	vld [tilespmem:s25+$0x4000]  }
0x4a: {  	v9 =	vmul.f32 $1.215686280e-01, v9;
	v6 =	vadd.s32 $0x4CC00000, v6;
	v19 =	vld [tilespmem:s25+$0x4060]  }
0x4b: {  	v20 =	vld [tilespmem:s25+$0x4400]  }
0x4c: {  	s3 =	sor.u32 $0x400, s28;
	v9 =	vadd.f32 $1.258291200e+07, v9;
	v21 =	vld [tilespmem:s25+$0x4420];
	v13 =	vmul.f32 $1.215686280e-01, v13  }
0x4d: {  	v10 =	vmul.f32 $1.215686280e-01, v10;
	s1 =	sor.u32 s3, s31;
	v3 =	vadd.s32 $0x4CC00000, v3;
	v7 =	vmul.f32 $1.215686280e-01, v18;
	v18 =	vld [tilespmem:s25+$0x4020]  }
0x4e: {  	v9 =	vshll.u32 v9, $0x5;
	v12 =	vadd.f32 $1.258291200e+07, v13;
	v13 =	vadd.f32 v1, v14;
	v14 =	vld [tilespmem:s1+$0x4060]  }
0x4f: {  	v11 =	vmul.f32 $1.215686280e-01, v11;
	v4 =	vadd.s32 v4, v9;
	[tilespmem:v6+s17+$0x0] =	vst.idx.add.f32.msk $0xffff, v2  }
0x50: {  	v10 =	vadd.f32 $1.258291200e+07, v10;
	v4 =	vadd.s32 $0x4CC00000, v4;
	v6 =	vld [tilespmem:s29+$0x0]  }
0x51: {  	v11 =	vadd.f32 $1.258291200e+07, v11;
	v7 =	vadd.f32 v1, v7;
	v9 =	vshll.u32 v12, $0x5;
	v12 =	vld [tilespmem:s1+$0x60]  }
0x52: {  	v10 =	vshll.u32 v10, $0x5;
	v15 =	vadd.f32 v1, v15;
	[tilespmem:v3+s17+$0x0] =	vst.idx.add.f32.msk $0xffff, v2  }
0x53: {  	v10 =	vadd.s32 v13, v10;
	v13 =	vld [tilespmem:s25+$0x400];
	v7 =	vadd.s32 v7, v9;
	v9 =	vshll.u32 v11, $0x5  }
0x54: {  	v11 =	vld [tilespmem:s25+$0x60];
	v5 =	vadd.s32 $0x4CC00000, v7;
	v7 =	vadd.s32 v15, v9;
	v9 =	vadd.s32 $0x4CC00000, v10  }
0x55: {  	v8 =	vmul.f32 $1.215686280e-01, v8;
	[tilespmem:v4+s17+$0x0] =	vst.idx.add.f32.msk $0xffff, v2  }
0x56: {  	v16 =	vmul.f32 $1.215686280e-01, v16;
	v17 =	vmul.f32 $1.215686280e-01, v17;
	v4 =	vld [tilespmem:s26+$0x30]  }
0x57: {  	v19 =	vmul.f32 $1.215686280e-01, v19;
	v10 =	vld [tilespmem:s25+$0x40];
	v12 =	vmul.f32 $1.215686280e-01, v12  }
0x58: {  	v20 =	vmul.f32 $1.215686280e-01, v20;
	v8 =	vadd.f32 $1.258291200e+07, v8;
	v15 =	vld [tilespmem:s25+$0x420];
	v14 =	vmul.f32 $1.215686280e-01, v14  }
0x59: {  	v18 =	vmul.f32 $1.215686280e-01, v18;
	v16 =	vadd.f32 $1.258291200e+07, v16;
	[tilespmem:v9+s17+$0x0] =	vst.idx.add.f32.msk $0xffff, v2;
	v12 =	vadd.f32 $1.258291200e+07, v12  }
0x5a: {  	v3 =	vadd.s32 $0x4CC00000, v7;
	v8 =	vshll.u32 v8, $0x5;
	v14 =	vadd.f32 v1, v14;
	v9 =	vld [tilespmem:s25+$0x20]  }
0x5b: {  	v7 =	vld [tilespmem:s26+$0x410];
	v18 =	vadd.f32 v1, v18;
	v16 =	vshll.u32 v16, $0x5;
	v12 =	vshll.u32 v12, $0x5  }
0x5c: {  	v22 =	vld [tilespmem:s25+$0x4440];
	v6 =	vmul.f32 $1.215686280e-01, v6;
	v13 =	vmul.f32 $1.215686280e-01, v13;
	v12 =	vadd.s32 v14, v12  }
0x5d: {  	v61 =	vld [tilespmem:s26+$0x4030];
	v11 =	vmul.f32 $1.215686280e-01, v11;
	v4 =	vmul.f32 $1.215686280e-01, v4;
	v12 =	vadd.s32 $0x4CC00000, v12  }
0x5e: {  	v6 =	vadd.f32 $1.258291200e+07, v6;
	v10 =	vmul.f32 $1.215686280e-01, v10;
	v15 =	vmul.f32 $1.215686280e-01, v15;
	v14 =	vld [tilespmem:s25+$0x4040]  }
0x5f: {  	[tilespmem:v5+s18+$0x0] =	vst.idx.add.f32.msk $0xffff, v2;
	v13 =	vadd.f32 $1.258291200e+07, v13;
	v11 =	vadd.f32 $1.258291200e+07, v11;
	v9 =	vmul.f32 $1.215686280e-01, v9  }
0x60: {  	v5 =	vld [tilespmem:s26+$0x50];
	v7 =	vmul.f32 $1.215686280e-01, v7;
	v4 =	vadd.f32 $1.258291200e+07, v4;
	v10 =	vadd.f32 $1.258291200e+07, v10  }
0x61: {  	s30 =	sor.u32 s3, s24;
	[tilespmem:v3+s17+$0x0] =	vst.idx.add.f32.msk $0xffff, v2;
	v6 =	vshll.u32 v6, $0x5;
	v15 =	vadd.f32 $1.258291200e+07, v15;
	v9 =	vadd.f32 $1.258291200e+07, v9  }
0x62: {  	s1 =	sor.u32 $0x70, s30;
	v13 =	vshll.u32 v13, $0x5;
	v11 =	vshll.u32 v11, $0x5;
	v7 =	vadd.f32 $1.258291200e+07, v7;
	[tilespmem:v12+s17+$0x0] =	vst.idx.add.f32.msk $0xffff, v2  }
0x63: {  	v14 =	vmul.f32 $1.215686280e-01, v14;
	v9 =	vshll.u32 v9, $0x5;
	v12 =	vadd.f32 v1, v17;
	v17 =	vld [tilespmem:s1+$0x0]  }
0x64: {  	v10 =	vshll.u32 v10, $0x5;
	v15 =	vshll.u32 v15, $0x5;
	v23 =	vld [tilespmem:s1+$0x4000];
	v9 =	vadd.s32 v18, v9  }
0x65: {  	v3 =	vld [tilespmem:s26+$0x10];
	v14 =	vadd.f32 v1, v14;
	v18 =	vadd.f32 v1, v20;
	v9 =	vadd.s32 $0x4CC00000, v9  }
0x66: {  	v24 =	vld [tilespmem:s26+$0x430];
	v8 =	vadd.s32 v12, v8;
	v12 =	vadd.f32 v1, v19;
	v19 =	vmul.f32 $1.215686280e-01, v21  }
0x67: {  	v25 =	vld [tilespmem:s26+$0x450];
	v10 =	vadd.s32 v14, v10;
	v8 =	vadd.s32 $0x4CC00000, v8;
	v13 =	vadd.s32 v18, v13  }
0x68: {  	v14 =	vld [tilespmem:s26+$0x4050];
	v11 =	vadd.s32 v12, v11;
	v10 =	vadd.s32 $0x4CC00000, v10;
	v12 =	vmul.f32 $1.215686280e-01, v17  }
0x69: {  	v18 =	vld [tilespmem:s26+$0x4410];
	v11 =	vadd.s32 $0x4CC00000, v11;
	v17 =	vadd.f32 v1, v19;
	v19 =	vmul.f32 $1.215686280e-01, v23  }
0x6a: {  	v20 =	vmul.f32 $1.215686280e-01, v22;
	v13 =	vadd.s32 $0x4CC00000, v13;
	[tilespmem:v9+s17+$0x0] =	vst.idx.add.f32.msk $0xffff, v2;
	v12 =	vadd.f32 $1.258291200e+07, v12  }
0x6b: {  	v4 =	vshll.u32 v4, $0x5;
	v15 =	vadd.s32 v17, v15;
	v17 =	vadd.f32 v1, v19;
	v19 =	vld [tilespmem:s26+$0x4430]  }
0x6c: {  	v20 =	vadd.f32 v1, v20;
	[tilespmem:v8+s17+$0x0] =	vst.idx.add.f32.msk $0xffff, v2;
	v15 =	vadd.s32 $0x4CC00000, v15;
	v12 =	vshll.u32 v12, $0x5  }
0x6d: {  	v5 =	vmul.f32 $1.215686280e-01, v5;
	v3 =	vmul.f32 $1.215686280e-01, v3;
	[tilespmem:v10+s17+$0x0] =	vst.idx.add.f32.msk $0xffff, v2;
	v12 =	vadd.s32 v17, v12  }
0x6e: {  	[tilespmem:v11+s17+$0x0] =	vst.idx.add.f32.msk $0xffff, v2;
	v11 =	vmul.f32 $1.215686280e-01, v61;
	v8 =	vadd.s32 $0x4CC00000, v12;
	v12 =	vadd.s32 v20, v16  }
0x6f: {  	v5 =	vadd.f32 $1.258291200e+07, v5;
	v3 =	vadd.f32 $1.258291200e+07, v3;
	[tilespmem:v13+s17+$0x0] =	vst.idx.add.f32.msk $0xffff, v2;
	v12 =	vadd.s32 $0x4CC00000, v12  }
0x70: {  	v7 =	vshll.u32 v7, $0x5;
	v9 =	vmul.f32 $1.215686280e-01, v24;
	v17 =	vld [tilespmem:s26+$0x4450];
	v11 =	vadd.f32 v1, v11  }
0x71: {  	v5 =	vshll.u32 v5, $0x5;
	v3 =	vshll.u32 v3, $0x5;
	v10 =	vmul.f32 $1.215686280e-01, v25;
	[tilespmem:v15+s17+$0x0] =	vst.idx.add.f32.msk $0xffff, v2  }
0x72: {  	v9 =	vadd.f32 $1.258291200e+07, v9;
	v16 =	vmul.f32 $1.215686280e-01, v60;
	v4 =	vadd.s32 v11, v4;
	v11 =	vld [tilespmem:s25+$0x50]  }
0x73: {  	v10 =	vadd.f32 $1.258291200e+07, v10;
	[tilespmem:v8+s18+$0x0] =	vst.idx.add.f32.msk $0xffff, v2;
	v8 =	vmul.f32 $1.215686280e-01, v14;
	v14 =	vmul.f32 $1.215686280e-01, v62  }
0x74: {  	v13 =	vadd.f32 v1, v16;
	v15 =	vmul.f32 $1.215686280e-01, v18;
	v16 =	vmul.f32 $1.215686280e-01, v19;
	[tilespmem:v12+s17+$0x0] =	vst.idx.add.f32.msk $0xffff, v2  }
0x75: {  	v9 =	vshll.u32 v9, $0x5;
	v10 =	vshll.u32 v10, $0x5;
	v12 =	vadd.f32 v1, v14;
	v14 =	vld [tilespmem:s25+$0x10]  }
0x76: {  	s31 =	sor.u32 s28, s24;
	v3 =	vadd.s32 v13, v3;
	v13 =	vadd.f32 v1, v15;
	v15 =	vadd.f32 v1, v16;
	v16 =	vld [tilespmem:s25+$0x30]  }
0x77: {  	s26 =	sor.u32 $0x70, s31;
	v8 =	vadd.f32 v1, v8;
	v63 =	vmul.f32 $1.215686280e-01, v11;
	v6 =	vadd.s32 v12, v6  }
0x78: {  	v12 =	vadd.s32 v13, v7;
	v13 =	vadd.s32 v15, v9;
	v15 =	vmul.f32 $1.215686280e-01, v17;
	v17 =	vld [tilespmem:s26+$0x0]  }
0x79: {  	v20 =	vld [tilespmem:s25+$0x410];
	v5 =	vadd.s32 v8, v5;
	v9 =	vadd.s32 $0x4CC00000, v3;
	v8 =	vadd.s32 $0x4CC00000, v4  }
0x7a: {  	v7 =	vadd.s32 $0x4CC00000, v5;
	v4 =	vadd.f32 v1, v15;
	v15 =	vld [tilespmem:s25+$0x430];
	v18 =	vmul.f32 $1.215686280e-01, v14  }
0x7b: {  	v6 =	vadd.s32 $0x4CC00000, v6;
	v5 =	vadd.s32 $0x4CC00000, v12;
	v12 =	vmul.f32 $1.215686280e-01, v16;
	v14 =	vld [tilespmem:s25+$0x450]  }
0x7c: {  	v3 =	vadd.s32 $0x4CC00000, v13;
	v13 =	vld [tilespmem:s25+$0x4010];
	v4 =	vadd.s32 v4, v10;
	v16 =	vadd.f32 $1.258291200e+07, v18  }
0x7d: {  	v19 =	vadd.f32 $1.258291200e+07, v12;
	v10 =	vld [tilespmem:s25+$0x4030];
	v4 =	vadd.s32 $0x4CC00000, v4;
	v18 =	vmul.f32 $1.215686280e-01, v17  }
0x7e: {  	s28 =	simm.s32 $0x1000;
	v12 =	vld [tilespmem:s25+$0x4050];
	v17 =	vadd.f32 $1.258291200e+07, v63;
	v11 =	vshll.u32 v16, $0x5;
	v16 =	vmul.f32 $1.215686280e-01, v20  }
.LBB2_5:
0x7f: {  	s24 =	sadd.s32 $0x10, s24;
	s1 =	sand.u32 $0x3800, s28;
	v19 =	vshll.u32 v19, $0x5;
	v20 =	vld [tilespmem:s26+$0x4000];
	v18 =	vadd.f32 $1.258291200e+07, v18;
	v15 =	vmul.f32 $1.215686280e-01, v15  }
0x80: {  	s31 =	sand.u32 $0x380, s24;
	s26 =	sor.u32 s1, s24;
	s30 =	sor.u32 $0x400, s1;
	v17 =	vshll.u32 v17, $0x5;
	v21 =	vld [tilespmem:s25+$0x4410];
	v16 =	vadd.f32 $1.258291200e+07, v16;
	v14 =	vmul.f32 $1.215686280e-01, v14  }
0x81: {  	s29 =	sor.u32 s31, s1;
	s26 =	sor.u32 $0x70, s26;
	s1 =	sor.u32 s30, s31;
	v13 =	vmul.f32 $1.215686280e-01, v13;
	v18 =	vshll.u32 v18, $0x5;
	v22 =	vld [tilespmem:s25+$0x4430];
	v15 =	vadd.f32 $1.258291200e+07, v15  }
0x82: {  	p0 =	slt.u32 s24, $0x3F0;
	v23 =	vld [tilespmem:s1+$0x60];
	v10 =	vmul.f32 $1.215686280e-01, v10;
	v16 =	vshll.u32 v16, $0x5;
	v14 =	vadd.f32 $1.258291200e+07, v14  }
0x83: {  	v24 =	vld [tilespmem:s1+$0x4060];
	v13 =	vadd.f32 v1, v13;
	v12 =	vmul.f32 $1.215686280e-01, v12;
	v15 =	vshll.u32 v15, $0x5  }
0x84: {  	v25 =	vld [tilespmem:s29+$0x0];
	v26 =	vadd.f32 v1, v10;
	v20 =	vmul.f32 $1.215686280e-01, v20;
	v10 =	vshll.u32 v14, $0x5  }
0x85: {  	v14 =	vld [tilespmem:s29+$0x20];
	v11 =	vadd.s32 v13, v11;
	v12 =	vadd.f32 v1, v12;
	v13 =	vmul.f32 $1.215686280e-01, v21  }
0x86: {  	v21 =	vld [tilespmem:s29+$0x40];
	v19 =	vadd.s32 v26, v19;
	v20 =	vadd.f32 v1, v20;
	v22 =	vmul.f32 $1.215686280e-01, v22  }
0x87: {  	v26 =	vld [tilespmem:s29+$0x60];
	v23 =	vmul.f32 $1.215686280e-01, v23;
	v12 =	vadd.s32 v12, v17;
	v13 =	vadd.f32 v1, v13  }
0x88: {  	v17 =	vld [tilespmem:s29+$0x400];
	v24 =	vmul.f32 $1.215686280e-01, v24;
	v18 =	vadd.s32 v20, v18;
	v20 =	vadd.f32 v1, v22  }
0x89: {  	v22 =	vmul.f32 $1.215686280e-01, v25;
	v25 =	vld [tilespmem:s29+$0x420];
	v23 =	vadd.f32 $1.258291200e+07, v23;
	v13 =	vadd.s32 v13, v16  }
0x8a: {  	v14 =	vmul.f32 $1.215686280e-01, v14;
	v16 =	vld [tilespmem:s29+$0x440];
	v24 =	vadd.f32 v1, v24;
	v15 =	vadd.s32 v20, v15  }
0x8b: {  	v20 =	vld [tilespmem:s29+$0x4000];
	v22 =	vadd.f32 $1.258291200e+07, v22;
	v21 =	vmul.f32 $1.215686280e-01, v21;
	v23 =	vshll.u32 v23, $0x5  }
0x8c: {  	v27 =	vld [tilespmem:s29+$0x4020];
	v14 =	vadd.f32 $1.258291200e+07, v14;
	v26 =	vmul.f32 $1.215686280e-01, v26;
	v23 =	vadd.s32 v24, v23  }
0x8d: {  	v24 =	vld [tilespmem:s29+$0x4040];
	v21 =	vadd.f32 $1.258291200e+07, v21;
	v17 =	vmul.f32 $1.215686280e-01, v17;
	v23 =	vadd.s32 $0x4CC00000, v23  }
0x8e: {  	v22 =	vshll.u32 v22, $0x5;
	v28 =	vld [tilespmem:s29+$0x4060];
	v26 =	vadd.f32 $1.258291200e+07, v26;
	v25 =	vmul.f32 $1.215686280e-01, v25  }
0x8f: {  	v14 =	vshll.u32 v14, $0x5;
	v29 =	vld [tilespmem:s29+$0x4400];
	v17 =	vadd.f32 $1.258291200e+07, v17;
	v16 =	vmul.f32 $1.215686280e-01, v16  }
0x90: {  	v21 =	vshll.u32 v21, $0x5;
	v20 =	vmul.f32 $1.215686280e-01, v20;
	v30 =	vld [tilespmem:s29+$0x4420];
	v25 =	vadd.f32 $1.258291200e+07, v25  }
0x91: {  	s1 =	sor.u32 s30, s24;
	v26 =	vshll.u32 v26, $0x5;
	v27 =	vmul.f32 $1.215686280e-01, v27;
	v31 =	vld [tilespmem:s29+$0x4440];
	v16 =	vadd.f32 $1.258291200e+07, v16  }
0x92: {  	s1 =	sor.u32 $0x70, s1;
	v17 =	vshll.u32 v17, $0x5;
	v20 =	vadd.f32 v1, v20;
	v24 =	vmul.f32 $1.215686280e-01, v24;
	[tilespmem:v23+s17+$0x0] =	vst.idx.add.f32.msk $0xffff, v2  }
0x93: {  	v25 =	vshll.u32 v25, $0x5;
	v23 =	vadd.f32 v1, v27;
	v27 =	vmul.f32 $1.215686280e-01, v28;
	v28 =	vld [tilespmem:s1+$0x0]  }
0x94: {  	v16 =	vshll.u32 v16, $0x5;
	v24 =	vadd.f32 v1, v24;
	v29 =	vmul.f32 $1.215686280e-01, v29;
	v32 =	vld [tilespmem:s1+$0x4000]  }
0x95: {  	v20 =	vadd.s32 v20, v22;
	v22 =	vadd.f32 v1, v27;
	v27 =	vmul.f32 $1.215686280e-01, v30;
	v30 =	vld [tilespmem:s25+$0x4450];
	s25 =	smov.u32 s29  }
0x96: {  	v14 =	vadd.s32 v23, v14;
	v23 =	vadd.f32 v1, v29;
	v29 =	vmul.f32 $1.215686280e-01, v31;
	[tilespmem:v9+s18+$0x0] =	vst.idx.add.f32.msk $0xffff, v2  }
0x97: {  	v9 =	vadd.s32 v24, v21;
	v21 =	vadd.s32 v22, v26;
	v22 =	vadd.f32 v1, v27  }
0x98: {  	v17 =	vadd.s32 v23, v17;
	v23 =	vadd.f32 v1, v29;
	v24 =	vmul.f32 $1.215686280e-01, v28;
	[tilespmem:v8+s18+$0x0] =	vst.idx.add.f32.msk $0xffff, v2  }
0x99: {  	v8 =	vadd.s32 $0x4CC00000, v20;
	v20 =	vadd.s32 v22, v25;
	v22 =	vmul.f32 $1.215686280e-01, v32;
	[tilespmem:v7+s18+$0x0] =	vst.idx.add.f32.msk $0xffff, v2  }
0x9a: {  	v7 =	vadd.s32 $0x4CC00000, v14;
	v14 =	vadd.s32 v23, v16;
	v16 =	vadd.f32 $1.258291200e+07, v24;
	[tilespmem:v6+s18+$0x0] =	vst.idx.add.f32.msk $0xffff, v2  }
0x9b: {  	v21 =	vadd.s32 $0x4CC00000, v21;
	v23 =	vadd.s32 $0x4CC00000, v9;
	v6 =	vadd.f32 v1, v22;
	[tilespmem:v5+s18+$0x0] =	vst.idx.add.f32.msk $0xffff, v2  }
0x9c: {  	v17 =	vadd.s32 $0x4CC00000, v17;
	v20 =	vadd.s32 $0x4CC00000, v20;
	v5 =	vshll.u32 v16, $0x5;
	[tilespmem:v3+s18+$0x0] =	vst.idx.add.f32.msk $0xffff, v2  }
0x9d: {  	v14 =	vadd.s32 $0x4CC00000, v14;
	v3 =	vadd.s32 v6, v5;
	v5 =	vmul.f32 $1.215686280e-01, v30;
	[tilespmem:v4+s18+$0x0] =	vst.idx.add.f32.msk $0xffff, v2  }
0x9e: {  	v9 =	vadd.s32 $0x4CC00000, v11;
	[tilespmem:v8+s17+$0x0] =	vst.idx.add.f32.msk $0xffff, v2;
	v16 =	vadd.s32 $0x4CC00000, v3;
	v8 =	vadd.s32 $0x4CC00000, v19  }
0x9f: {  	v6 =	vadd.s32 $0x4CC00000, v18;
	[tilespmem:v7+s17+$0x0] =	vst.idx.add.f32.msk $0xffff, v2;
	v7 =	vadd.s32 $0x4CC00000, v12;
	v4 =	vadd.f32 v1, v5  }
0xa0: {  	v3 =	vadd.s32 $0x4CC00000, v15;
	v5 =	vadd.s32 $0x4CC00000, v13;
	[tilespmem:v23+s17+$0x0] =	vst.idx.add.f32.msk $0xffff, v2  }
0xa1: {  	[tilespmem:v21+s17+$0x0] =	vst.idx.add.f32.msk $0xffff, v2;
	v4 =	vadd.s32 v4, v10  }
0xa2: {  	[tilespmem:v17+s17+$0x0] =	vst.idx.add.f32.msk $0xffff, v2;
	v4 =	vadd.s32 $0x4CC00000, v4  }
0xa3: {  	[tilespmem:v16+s18+$0x0] =	vst.idx.add.f32.msk $0xffff, v2  }
0xa4: {  	[tilespmem:v20+s17+$0x0] =	vst.idx.add.f32.msk $0xffff, v2  }
0xa5: {  	[tilespmem:v14+s17+$0x0] =	vst.idx.add.f32.msk $0xffff, v2  }
0xa6: {  	v10 =	vld [tilespmem:s25+$0x10]  }
0xa7: {  	v11 =	vld [tilespmem:s25+$0x30]  }
0xa8: {  	v12 =	vld [tilespmem:s25+$0x50]  }
0xa9: {  	v16 =	vld [tilespmem:s26+$0x0]  }
0xaa: {  	v20 =	vld [tilespmem:s25+$0x410]  }
.Ltmp1:
0xab: {  	v10 =	vmul.f32 $1.215686280e-01, v10;
	v15 =	vld [tilespmem:s25+$0x430];
	(pc) =	sbr.rel @p0 .LBB2_5-.Ltmp1, $4  }
0xac: {  	v11 =	vmul.f32 $1.215686280e-01, v11;
	v14 =	vld [tilespmem:s25+$0x450]  }
0xad: {  	v13 =	vld [tilespmem:s25+$0x4010];
	v17 =	vadd.f32 $1.258291200e+07, v10;
	v21 =	vmul.f32 $1.215686280e-01, v12  }
0xae: {  	v10 =	vld [tilespmem:s25+$0x4030];
	v19 =	vadd.f32 $1.258291200e+07, v11;
	v18 =	vmul.f32 $1.215686280e-01, v16  }
0xaf: {  	s28 =	sadd.s32 $0x800, s28;
	v11 =	vshll.u32 v17, $0x5;
	v12 =	vld [tilespmem:s25+$0x4050];
	v17 =	vadd.f32 $1.258291200e+07, v21;
	v16 =	vmul.f32 $1.215686280e-01, v20  }
0xb0: {  	v20 =	vld [tilespmem:s26+$0x4000]  }
0xb1: {  	v19 =	vshll.u32 v19, $0x5;
	v21 =	vld [tilespmem:s25+$0x4410]  }
0xb2: {  	v18 =	vadd.f32 $1.258291200e+07, v18;
	v15 =	vmul.f32 $1.215686280e-01, v15;
	v22 =	vld [tilespmem:s25+$0x4430];
	v17 =	vshll.u32 v17, $0x5  }
0xb3: {  	v23 =	vld [tilespmem:s25+$0x4450];
	v16 =	vadd.f32 $1.258291200e+07, v16;
	v14 =	vmul.f32 $1.215686280e-01, v14;
	v13 =	vmul.f32 $1.215686280e-01, v13  }
0xb4: {  	v18 =	vshll.u32 v18, $0x5;
	v15 =	vadd.f32 $1.258291200e+07, v15;
	v10 =	vmul.f32 $1.215686280e-01, v10  }
0xb5: {  	v16 =	vshll.u32 v16, $0x5;
	v14 =	vadd.f32 $1.258291200e+07, v14;
	v13 =	vadd.f32 v1, v13  }
0xb6: {  	[tilespmem:v9+s18+$0x0] =	vst.idx.add.f32.msk $0xffff, v2;
	v12 =	vmul.f32 $1.215686280e-01, v12;
	v15 =	vshll.u32 v15, $0x5;
	v20 =	vmul.f32 $1.215686280e-01, v20  }
0xb7: {  	[tilespmem:v8+s18+$0x0] =	vst.idx.add.f32.msk $0xffff, v2;
	v10 =	vadd.f32 v1, v10;
	v9 =	vmul.f32 $1.215686280e-01, v21;
	v8 =	vmul.f32 $1.215686280e-01, v22  }
0xb8: {  	[tilespmem:v6+s18+$0x0] =	vst.idx.add.f32.msk $0xffff, v2;
	v6 =	vmul.f32 $1.215686280e-01, v23;
	v11 =	vadd.s32 v13, v11;
	v12 =	vadd.f32 v1, v12  }
0xb9: {  	[tilespmem:v7+s18+$0x0] =	vst.idx.add.f32.msk $0xffff, v2;
	v10 =	vadd.s32 v10, v19;
	v13 =	vadd.f32 v1, v20;
	v7 =	vadd.s32 $0x4CC00000, v11  }
0xba: {  	v9 =	vadd.f32 v1, v9;
	v12 =	vadd.s32 v12, v17;
	v10 =	vadd.s32 $0x4CC00000, v10  }
0xbb: {  	[tilespmem:v5+s18+$0x0] =	vst.idx.add.f32.msk $0xffff, v2;
	v8 =	vadd.f32 v1, v8;
	v11 =	vadd.s32 v13, v18;
	v5 =	vadd.s32 $0x4CC00000, v12  }
0xbc: {  	[tilespmem:v3+s18+$0x0] =	vst.idx.add.f32.msk $0xffff, v2;
	v6 =	vadd.f32 v1, v6;
	v9 =	vadd.s32 v9, v16;
	v3 =	vadd.s32 $0x4CC00000, v11  }
0xbd: {  	[tilespmem:v4+s18+$0x0] =	vst.idx.add.f32.msk $0xffff, v2;
	v8 =	vadd.s32 v8, v15;
	v11 =	vshll.u32 v14, $0x5;
	v4 =	vadd.s32 $0x4CC00000, v9  }
0xbe: {  	v8 =	vadd.s32 $0x4CC00000, v8;
	v6 =	vadd.s32 v6, v11;
	[tilespmem:v7+s18+$0x0] =	vst.idx.add.f32.msk $0xffff, v2  }
0xbf: {  	v6 =	vadd.s32 $0x4CC00000, v6;
	[tilespmem:v10+s18+$0x0] =	vst.idx.add.f32.msk $0xffff, v2  }
0xc0: {  	[tilespmem:v5+s18+$0x0] =	vst.idx.add.f32.msk $0xffff, v2  }
0xc1: {  	s24 =	sshll.u32 s23, $0xF;
	p0 =	seq.s32 s23, $0xF;
	[tilespmem:v3+s18+$0x0] =	vst.idx.add.f32.msk $0xffff, v2  }
0xc2: {  	s1 =	sadd.s32 @!p0 s24, s9;
	[tilespmem:v4+s18+$0x0] =	vst.idx.add.f32.msk $0xffff, v2  }
0xc3: {  	s1 =	sshrl.u32 @!p0 s1, $0x3;
	[tilespmem:v8+s18+$0x0] =	vst.idx.add.f32.msk $0xffff, v2  }
0xc4: {  	s26 =	simm.s32 @!p0 $0x0;
	s25 =	sadd.s32 @!p0 s0, s1;
	[tilespmem:v6+s18+$0x0] =	vst.idx.add.f32.msk $0xffff, v2  }
0xc5: {  	[tilespmem:s26], [sflag:$0x1] =	stream.linear.gather @!p0 [hbm4b:s25+s26], $0x4000, $0x38;
	[tilespmem:$0x18000] =	vst v63  }
0xc6: {  	s1 =	sadd.s32 @!p0 s2, s1;
	s25 =	simm.s32 @!p0 $0x4000  }
0xc7: {  	[tilespmem:s25], [sflag:$0x1] =	stream.linear.gather @!p0 [hbm4b:s1+s26], $0x4000, $0x38;
	[tilespmem:$0x18000] =	vst v63  }
0xc8: {  	_ =	swait.ge [sflag:s19], $0x4000  }
0xc9: {  	[sflag:s19] =	ssyncset.done $0x0  }
0xca: {  	s30 =	simm.s32 $0x0;
	[sflag:s19] =	ssyncadd.s32 $0xFFFFC000  }
0xcb: {  	s30 =	sand.u32 $0x3800, s30;
	s26 =	simm.s32 $0x0;
	_ =	swait.ge [sflag:s19], $0x4000  }
0xcc: {  	s3 =	sor.u32 $0x400, s30;
	s31 =	sand.u32 $0x380, s26;
	[sflag:s19] =	ssyncset.done $0x0  }
0xcd: {  	s29 =	sor.u32 s3, s31;
	[sflag:s19] =	ssyncadd.s32 $0xFFFFC000  }
0xce: {  	v3 =	vld [tilespmem:s29+$0x8060]  }
0xcf: {  	s28 =	sor.u32 s31, s30;
	v4 =	vld [tilespmem:s29+$0xC060]  }
0xd0: {  	v5 =	vld [tilespmem:s28+$0x8000]  }
0xd1: {  	v12 =	vld [tilespmem:s28+$0xC000];
	_ =	sdelay $0x1  }
0xd2: {  	v6 =	vld [tilespmem:s28+$0x8020]  }
0xd3: {  	v8 =	vld [tilespmem:s28+$0x8060];
	v3 =	vmul.f32 $1.215686280e-01, v3  }
0xd4: {  	v14 =	vld [tilespmem:s28+$0xC060];
	v4 =	vmul.f32 $1.215686280e-01, v4;
	v5 =	vmul.f32 $1.215686280e-01, v5  }
0xd5: {  	v7 =	vld [tilespmem:s28+$0x8040];
	v12 =	vmul.f32 $1.215686280e-01, v12;
	v3 =	vadd.f32 $1.258291200e+07, v3  }
0xd6: {  	v9 =	vld [tilespmem:s28+$0x8400];
	v4 =	vadd.f32 v1, v4;
	v5 =	vadd.f32 $1.258291200e+07, v5  }
0xd7: {  	v10 =	vld [tilespmem:s28+$0x8420];
	v12 =	vadd.f32 v1, v12;
	v3 =	vshll.u32 v3, $0x5  }
0xd8: {  	v11 =	vld [tilespmem:s28+$0x8440];
	v8 =	vmul.f32 $1.215686280e-01, v8;
	v5 =	vshll.u32 v5, $0x5;
	v3 =	vadd.s32 v4, v3  }
0xd9: {  	v13 =	vld [tilespmem:s28+$0xC020];
	v14 =	vmul.f32 $1.215686280e-01, v14;
	v5 =	vadd.s32 v12, v5;
	v3 =	vadd.s32 $0x4CC00000, v3  }
0xda: {  	v15 =	vld [tilespmem:s28+$0xC400];
	v8 =	vadd.f32 $1.258291200e+07, v8;
	v5 =	vadd.s32 $0x4CC00000, v5  }
0xdb: {  	v16 =	vld [tilespmem:s28+$0xC420];
	v12 =	vadd.f32 v1, v14  }
0xdc: {  	v17 =	vld [tilespmem:s28+$0xC440];
	v8 =	vshll.u32 v8, $0x5  }
0xdd: {  	v4 =	vmul.f32 $1.215686280e-01, v6;
	v6 =	vmul.f32 $1.215686280e-01, v7;
	v7 =	vld [tilespmem:s28+$0xC040];
	v8 =	vadd.s32 v12, v8  }
0xde: {  	s31 =	sor.u32 s3, s26;
	v8 =	vadd.s32 $0x4CC00000, v8;
	[tilespmem:v3+s17+$0x0] =	vst.idx.add.f32.msk $0xffff, v2  }
0xdf: {  	s1 =	sor.u32 $0x70, s31;
	[tilespmem:v5+s17+$0x0] =	vst.idx.add.f32.msk $0xffff, v2  }
0xe0: {  	v3 =	vmul.f32 $1.215686280e-01, v13;
	v13 =	vld [tilespmem:s1+$0x8000]  }
0xe1: {  	s25 =	simm.s32 $0x10;
	s3 =	simm.s32 $0x800;
	v18 =	vld [tilespmem:s1+$0xC000]  }
0xe2: {  	s29 =	sand.u32 $0x3800, s3;
	s1 =	sand.u32 $0x380, s25;
	v60 =	vld [tilespmem:s28+$0xC010]  }
0xe3: {  	s30 =	sor.u32 s30, s26;
	v7 =	vmul.f32 $1.215686280e-01, v7;
	[tilespmem:v8+s17+$0x0] =	vst.idx.add.f32.msk $0xffff, v2;
	s26 =	sor.u32 s1, s29  }
0xe4: {  	v6 =	vadd.f32 $1.258291200e+07, v6;
	v8 =	vld [tilespmem:s26+$0x8000]  }
0xe5: {  	v14 =	vmul.f32 $1.215686280e-01, v16;
	v7 =	vadd.f32 v1, v7;
	v16 =	vld [tilespmem:s26+$0x8440]  }
0xe6: {  	v4 =	vadd.f32 $1.258291200e+07, v4;
	v6 =	vshll.u32 v6, $0x5;
	v19 =	vld [tilespmem:s26+$0xC060]  }
0xe7: {  	v9 =	vmul.f32 $1.215686280e-01, v9;
	v3 =	vadd.f32 v1, v3;
	v6 =	vadd.s32 v7, v6;
	v20 =	vld [tilespmem:s26+$0xC400]  }
0xe8: {  	v15 =	vmul.f32 $1.215686280e-01, v15;
	v4 =	vshll.u32 v4, $0x5;
	v57 =	vld [tilespmem:s26+$0xC420];
	v6 =	vadd.s32 $0x4CC00000, v6  }
0xe9: {  	v9 =	vadd.f32 $1.258291200e+07, v9;
	v58 =	vld [tilespmem:s26+$0xC440];
	v3 =	vadd.s32 v3, v4  }
0xea: {  	s31 =	sor.u32 $0x400, s29;
	v4 =	vadd.f32 v1, v15;
	v15 =	vmul.f32 $1.215686280e-01, v17;
	v17 =	vld [tilespmem:s26+$0xC000];
	v13 =	vmul.f32 $1.215686280e-01, v13  }
0xeb: {  	v10 =	vmul.f32 $1.215686280e-01, v10;
	s3 =	sor.u32 s31, s1;
	v3 =	vadd.s32 $0x4CC00000, v3;
	v7 =	vmul.f32 $1.215686280e-01, v18;
	v18 =	vld [tilespmem:s26+$0xC020]  }
0xec: {  	v9 =	vshll.u32 v9, $0x5;
	v12 =	vadd.f32 $1.258291200e+07, v13;
	v13 =	vadd.f32 v1, v14;
	v14 =	vld [tilespmem:s3+$0xC060]  }
0xed: {  	s30 =	sor.u32 $0x70, s30;
	v11 =	vmul.f32 $1.215686280e-01, v11;
	v4 =	vadd.s32 v4, v9;
	[tilespmem:v6+s17+$0x0] =	vst.idx.add.f32.msk $0xffff, v2  }
0xee: {  	v10 =	vadd.f32 $1.258291200e+07, v10;
	v4 =	vadd.s32 $0x4CC00000, v4;
	v6 =	vld [tilespmem:s30+$0x8000]  }
0xef: {  	v11 =	vadd.f32 $1.258291200e+07, v11;
	v7 =	vadd.f32 v1, v7;
	v9 =	vshll.u32 v12, $0x5;
	v12 =	vld [tilespmem:s3+$0x8060]  }
0xf0: {  	v10 =	vshll.u32 v10, $0x5;
	v15 =	vadd.f32 v1, v15;
	[tilespmem:v3+s17+$0x0] =	vst.idx.add.f32.msk $0xffff, v2  }
0xf1: {  	v10 =	vadd.s32 v13, v10;
	v13 =	vld [tilespmem:s26+$0x8400];
	v7 =	vadd.s32 v7, v9;
	v9 =	vshll.u32 v11, $0x5  }
0xf2: {  	v11 =	vld [tilespmem:s26+$0x8060];
	v5 =	vadd.s32 $0x4CC00000, v7;
	v7 =	vadd.s32 v15, v9;
	v9 =	vadd.s32 $0x4CC00000, v10  }
0xf3: {  	v8 =	vmul.f32 $1.215686280e-01, v8;
	[tilespmem:v4+s17+$0x0] =	vst.idx.add.f32.msk $0xffff, v2  }
0xf4: {  	v16 =	vmul.f32 $1.215686280e-01, v16;
	v19 =	vmul.f32 $1.215686280e-01, v19;
	v4 =	vld [tilespmem:s28+$0x8030]  }
0xf5: {  	v20 =	vmul.f32 $1.215686280e-01, v20;
	v10 =	vld [tilespmem:s26+$0x8040];
	v12 =	vmul.f32 $1.215686280e-01, v12  }
0xf6: {  	v8 =	vadd.f32 $1.258291200e+07, v8;
	v16 =	vadd.f32 $1.258291200e+07, v16;
	v15 =	vld [tilespmem:s26+$0x8420];
	v14 =	vmul.f32 $1.215686280e-01, v14  }
0xf7: {  	v17 =	vmul.f32 $1.215686280e-01, v17;
	v18 =	vmul.f32 $1.215686280e-01, v18;
	[tilespmem:v9+s17+$0x0] =	vst.idx.add.f32.msk $0xffff, v2;
	v12 =	vadd.f32 $1.258291200e+07, v12  }
0xf8: {  	v8 =	vshll.u32 v8, $0x5;
	v16 =	vshll.u32 v16, $0x5;
	v14 =	vadd.f32 v1, v14;
	v9 =	vld [tilespmem:s26+$0x8020]  }
0xf9: {  	v3 =	vadd.s32 $0x4CC00000, v7;
	v7 =	vld [tilespmem:s28+$0x8410];
	v18 =	vadd.f32 v1, v18;
	v12 =	vshll.u32 v12, $0x5  }
0xfa: {  	v62 =	vld [tilespmem:s30+$0xC000];
	v6 =	vmul.f32 $1.215686280e-01, v6;
	v13 =	vmul.f32 $1.215686280e-01, v13;
	v12 =	vadd.s32 v14, v12  }
0xfb: {  	v61 =	vld [tilespmem:s28+$0xC030];
	v11 =	vmul.f32 $1.215686280e-01, v11;
	v4 =	vmul.f32 $1.215686280e-01, v4;
	v12 =	vadd.s32 $0x4CC00000, v12  }
0xfc: {  	v6 =	vadd.f32 $1.258291200e+07, v6;
	v10 =	vmul.f32 $1.215686280e-01, v10;
	v15 =	vmul.f32 $1.215686280e-01, v15;
	v14 =	vld [tilespmem:s26+$0xC040]  }
0xfd: {  	[tilespmem:v5+s18+$0x0] =	vst.idx.add.f32.msk $0xffff, v2;
	v13 =	vadd.f32 $1.258291200e+07, v13;
	v11 =	vadd.f32 $1.258291200e+07, v11;
	v9 =	vmul.f32 $1.215686280e-01, v9  }
0xfe: {  	v5 =	vld [tilespmem:s28+$0x8050];
	v7 =	vmul.f32 $1.215686280e-01, v7;
	v4 =	vadd.f32 $1.258291200e+07, v4;
	v10 =	vadd.f32 $1.258291200e+07, v10  }
0xff: {  	s3 =	sor.u32 s31, s25;
	[tilespmem:v3+s17+$0x0] =	vst.idx.add.f32.msk $0xffff, v2;
	v6 =	vshll.u32 v6, $0x5;
	v15 =	vadd.f32 $1.258291200e+07, v15;
	v9 =	vadd.f32 $1.258291200e+07, v9  }
0x100: {  	s1 =	sor.u32 $0x70, s3;
	v13 =	vshll.u32 v13, $0x5;
	v11 =	vshll.u32 v11, $0x5;
	v7 =	vadd.f32 $1.258291200e+07, v7;
	[tilespmem:v12+s17+$0x0] =	vst.idx.add.f32.msk $0xffff, v2  }
0x101: {  	v14 =	vmul.f32 $1.215686280e-01, v14;
	v9 =	vshll.u32 v9, $0x5;
	v12 =	vadd.f32 v1, v17;
	v17 =	vld [tilespmem:s1+$0x8000]  }
0x102: {  	v10 =	vshll.u32 v10, $0x5;
	v15 =	vshll.u32 v15, $0x5;
	v59 =	vld [tilespmem:s1+$0xC000];
	v9 =	vadd.s32 v18, v9  }
0x103: {  	v3 =	vld [tilespmem:s28+$0x8010];
	v14 =	vadd.f32 v1, v14;
	v18 =	vadd.f32 v1, v20;
	v9 =	vadd.s32 $0x4CC00000, v9  }
0x104: {  	v24 =	vld [tilespmem:s28+$0x8430];
	v8 =	vadd.s32 v12, v8;
	v12 =	vadd.f32 v1, v19;
	v19 =	vmul.f32 $1.215686280e-01, v57  }
0x105: {  	v25 =	vld [tilespmem:s28+$0x8450];
	v10 =	vadd.s32 v14, v10;
	v8 =	vadd.s32 $0x4CC00000, v8;
	v13 =	vadd.s32 v18, v13  }
0x106: {  	v14 =	vld [tilespmem:s28+$0xC050];
	v11 =	vadd.s32 v12, v11;
	v10 =	vadd.s32 $0x4CC00000, v10;
	v12 =	vmul.f32 $1.215686280e-01, v17  }
0x107: {  	v18 =	vld [tilespmem:s28+$0xC410];
	v11 =	vadd.s32 $0x4CC00000, v11;
	v17 =	vadd.f32 v1, v19;
	v19 =	vmul.f32 $1.215686280e-01, v59  }
0x108: {  	v20 =	vmul.f32 $1.215686280e-01, v58;
	v13 =	vadd.s32 $0x4CC00000, v13;
	[tilespmem:v9+s17+$0x0] =	vst.idx.add.f32.msk $0xffff, v2;
	v12 =	vadd.f32 $1.258291200e+07, v12  }
0x109: {  	v4 =	vshll.u32 v4, $0x5;
	v15 =	vadd.s32 v17, v15;
	v17 =	vadd.f32 v1, v19;
	v19 =	vld [tilespmem:s28+$0xC430]  }
0x10a: {  	v20 =	vadd.f32 v1, v20;
	[tilespmem:v8+s17+$0x0] =	vst.idx.add.f32.msk $0xffff, v2;
	v15 =	vadd.s32 $0x4CC00000, v15;
	v12 =	vshll.u32 v12, $0x5  }
0x10b: {  	v5 =	vmul.f32 $1.215686280e-01, v5;
	v3 =	vmul.f32 $1.215686280e-01, v3;
	[tilespmem:v10+s17+$0x0] =	vst.idx.add.f32.msk $0xffff, v2;
	v12 =	vadd.s32 v17, v12  }
0x10c: {  	[tilespmem:v11+s17+$0x0] =	vst.idx.add.f32.msk $0xffff, v2;
	v11 =	vmul.f32 $1.215686280e-01, v61;
	v8 =	vadd.s32 $0x4CC00000, v12;
	v12 =	vadd.s32 v20, v16  }
0x10d: {  	v5 =	vadd.f32 $1.258291200e+07, v5;
	v3 =	vadd.f32 $1.258291200e+07, v3;
	[tilespmem:v13+s17+$0x0] =	vst.idx.add.f32.msk $0xffff, v2;
	v12 =	vadd.s32 $0x4CC00000, v12  }
0x10e: {  	v7 =	vshll.u32 v7, $0x5;
	v9 =	vmul.f32 $1.215686280e-01, v24;
	v17 =	vld [tilespmem:s28+$0xC450];
	v11 =	vadd.f32 v1, v11  }
0x10f: {  	v5 =	vshll.u32 v5, $0x5;
	v3 =	vshll.u32 v3, $0x5;
	v10 =	vmul.f32 $1.215686280e-01, v25;
	[tilespmem:v15+s17+$0x0] =	vst.idx.add.f32.msk $0xffff, v2  }
0x110: {  	v9 =	vadd.f32 $1.258291200e+07, v9;
	v16 =	vmul.f32 $1.215686280e-01, v60;
	v4 =	vadd.s32 v11, v4;
	v11 =	vld [tilespmem:s26+$0x8050]  }
0x111: {  	v10 =	vadd.f32 $1.258291200e+07, v10;
	[tilespmem:v8+s18+$0x0] =	vst.idx.add.f32.msk $0xffff, v2;
	v8 =	vmul.f32 $1.215686280e-01, v14;
	v14 =	vmul.f32 $1.215686280e-01, v62  }
0x112: {  	v13 =	vadd.f32 v1, v16;
	v15 =	vmul.f32 $1.215686280e-01, v18;
	v16 =	vmul.f32 $1.215686280e-01, v19;
	[tilespmem:v12+s17+$0x0] =	vst.idx.add.f32.msk $0xffff, v2  }
0x113: {  	v9 =	vshll.u32 v9, $0x5;
	v10 =	vshll.u32 v10, $0x5;
	v12 =	vadd.f32 v1, v14;
	v14 =	vld [tilespmem:s26+$0x8010]  }
0x114: {  	s31 =	sor.u32 s29, s25;
	v3 =	vadd.s32 v13, v3;
	v13 =	vadd.f32 v1, v15;
	v15 =	vadd.f32 v1, v16;
	v16 =	vld [tilespmem:s26+$0x8030]  }
0x115: {  	s28 =	sor.u32 $0x70, s31;
	v8 =	vadd.f32 v1, v8;
	v63 =	vmul.f32 $1.215686280e-01, v11;
	v6 =	vadd.s32 v12, v6  }
0x116: {  	v12 =	vadd.s32 v13, v7;
	v13 =	vadd.s32 v15, v9;
	v15 =	vmul.f32 $1.215686280e-01, v17;
	v17 =	vld [tilespmem:s28+$0x8000]  }
0x117: {  	v20 =	vld [tilespmem:s26+$0x8410];
	v5 =	vadd.s32 v8, v5;
	v9 =	vadd.s32 $0x4CC00000, v3;
	v8 =	vadd.s32 $0x4CC00000, v4  }
0x118: {  	v7 =	vadd.s32 $0x4CC00000, v5;
	v4 =	vadd.f32 v1, v15;
	v18 =	vmul.f32 $1.215686280e-01, v14;
	v14 =	vld [tilespmem:s26+$0x8430]  }
0x119: {  	v5 =	vadd.s32 $0x4CC00000, v12;
	v3 =	vadd.s32 $0x4CC00000, v13;
	v12 =	vmul.f32 $1.215686280e-01, v16;
	v13 =	vld [tilespmem:s26+$0x8450]  }
0x11a: {  	v6 =	vadd.s32 $0x4CC00000, v6;
	v15 =	vld [tilespmem:s26+$0xC010];
	v4 =	vadd.s32 v4, v10;
	v16 =	vadd.f32 $1.258291200e+07, v18  }
0x11b: {  	v19 =	vadd.f32 $1.258291200e+07, v12;
	v10 =	vld [tilespmem:s26+$0xC030];
	v4 =	vadd.s32 $0x4CC00000, v4;
	v18 =	vmul.f32 $1.215686280e-01, v17  }
0x11c: {  	s29 =	simm.s32 $0x1000;
	v12 =	vld [tilespmem:s26+$0xC050];
	v17 =	vadd.f32 $1.258291200e+07, v63;
	v11 =	vshll.u32 v16, $0x5;
	v16 =	vmul.f32 $1.215686280e-01, v20  }
.LBB2_7:
0x11d: {  	s25 =	sadd.s32 $0x10, s25;
	s1 =	sand.u32 $0x3800, s29;
	v19 =	vshll.u32 v19, $0x5;
	v20 =	vld [tilespmem:s28+$0xC000];
	v18 =	vadd.f32 $1.258291200e+07, v18;
	v14 =	vmul.f32 $1.215686280e-01, v14  }
0x11e: {  	s3 =	sand.u32 $0x380, s25;
	s28 =	sor.u32 s1, s25;
	s31 =	sor.u32 $0x400, s1;
	v17 =	vshll.u32 v17, $0x5;
	v21 =	vld [tilespmem:s26+$0xC410];
	v16 =	vadd.f32 $1.258291200e+07, v16;
	v13 =	vmul.f32 $1.215686280e-01, v13  }
0x11f: {  	s30 =	sor.u32 s3, s1;
	s28 =	sor.u32 $0x70, s28;
	s1 =	sor.u32 s31, s3;
	v15 =	vmul.f32 $1.215686280e-01, v15;
	v18 =	vshll.u32 v18, $0x5;
	v22 =	vld [tilespmem:s26+$0xC430];
	v14 =	vadd.f32 $1.258291200e+07, v14  }
0x120: {  	p1 =	slt.u32 s25, $0x3F0;
	v23 =	vld [tilespmem:s1+$0x8060];
	v10 =	vmul.f32 $1.215686280e-01, v10;
	v16 =	vshll.u32 v16, $0x5;
	v13 =	vadd.f32 $1.258291200e+07, v13  }
0x121: {  	v24 =	vld [tilespmem:s1+$0xC060];
	v15 =	vadd.f32 v1, v15;
	v12 =	vmul.f32 $1.215686280e-01, v12;
	v14 =	vshll.u32 v14, $0x5  }
0x122: {  	v25 =	vld [tilespmem:s30+$0x8000];
	v26 =	vadd.f32 v1, v10;
	v20 =	vmul.f32 $1.215686280e-01, v20;
	v10 =	vshll.u32 v13, $0x5  }
0x123: {  	v13 =	vld [tilespmem:s30+$0x8020];
	v11 =	vadd.s32 v15, v11;
	v12 =	vadd.f32 v1, v12;
	v15 =	vmul.f32 $1.215686280e-01, v21  }
0x124: {  	v21 =	vld [tilespmem:s30+$0x8040];
	v19 =	vadd.s32 v26, v19;
	v20 =	vadd.f32 v1, v20;
	v22 =	vmul.f32 $1.215686280e-01, v22  }
0x125: {  	v26 =	vld [tilespmem:s30+$0x8060];
	v23 =	vmul.f32 $1.215686280e-01, v23;
	v12 =	vadd.s32 v12, v17;
	v15 =	vadd.f32 v1, v15  }
0x126: {  	v17 =	vld [tilespmem:s30+$0x8400];
	v24 =	vmul.f32 $1.215686280e-01, v24;
	v18 =	vadd.s32 v20, v18;
	v20 =	vadd.f32 v1, v22  }
0x127: {  	v22 =	vmul.f32 $1.215686280e-01, v25;
	v25 =	vld [tilespmem:s30+$0x8420];
	v23 =	vadd.f32 $1.258291200e+07, v23;
	v15 =	vadd.s32 v15, v16  }
0x128: {  	v13 =	vmul.f32 $1.215686280e-01, v13;
	v16 =	vld [tilespmem:s30+$0x8440];
	v24 =	vadd.f32 v1, v24;
	v14 =	vadd.s32 v20, v14  }
0x129: {  	v20 =	vld [tilespmem:s30+$0xC000];
	v22 =	vadd.f32 $1.258291200e+07, v22;
	v21 =	vmul.f32 $1.215686280e-01, v21;
	v23 =	vshll.u32 v23, $0x5  }
0x12a: {  	v27 =	vld [tilespmem:s30+$0xC020];
	v13 =	vadd.f32 $1.258291200e+07, v13;
	v26 =	vmul.f32 $1.215686280e-01, v26;
	v23 =	vadd.s32 v24, v23  }
0x12b: {  	v24 =	vld [tilespmem:s30+$0xC040];
	v21 =	vadd.f32 $1.258291200e+07, v21;
	v17 =	vmul.f32 $1.215686280e-01, v17;
	v23 =	vadd.s32 $0x4CC00000, v23  }
0x12c: {  	v22 =	vshll.u32 v22, $0x5;
	v28 =	vld [tilespmem:s30+$0xC060];
	v26 =	vadd.f32 $1.258291200e+07, v26;
	v25 =	vmul.f32 $1.215686280e-01, v25  }
0x12d: {  	v13 =	vshll.u32 v13, $0x5;
	v29 =	vld [tilespmem:s30+$0xC400];
	v17 =	vadd.f32 $1.258291200e+07, v17;
	v16 =	vmul.f32 $1.215686280e-01, v16  }
0x12e: {  	v21 =	vshll.u32 v21, $0x5;
	v20 =	vmul.f32 $1.215686280e-01, v20;
	v30 =	vld [tilespmem:s30+$0xC420];
	v25 =	vadd.f32 $1.258291200e+07, v25  }
0x12f: {  	s1 =	sor.u32 s31, s25;
	v26 =	vshll.u32 v26, $0x5;
	v27 =	vmul.f32 $1.215686280e-01, v27;
	v31 =	vld [tilespmem:s30+$0xC440];
	v16 =	vadd.f32 $1.258291200e+07, v16  }
0x130: {  	s1 =	sor.u32 $0x70, s1;
	v17 =	vshll.u32 v17, $0x5;
	v20 =	vadd.f32 v1, v20;
	v24 =	vmul.f32 $1.215686280e-01, v24;
	[tilespmem:v23+s17+$0x0] =	vst.idx.add.f32.msk $0xffff, v2  }
0x131: {  	v25 =	vshll.u32 v25, $0x5;
	v23 =	vadd.f32 v1, v27;
	v27 =	vmul.f32 $1.215686280e-01, v28;
	v28 =	vld [tilespmem:s1+$0x8000]  }
0x132: {  	v16 =	vshll.u32 v16, $0x5;
	v24 =	vadd.f32 v1, v24;
	v29 =	vmul.f32 $1.215686280e-01, v29;
	v32 =	vld [tilespmem:s1+$0xC000]  }
0x133: {  	v20 =	vadd.s32 v20, v22;
	v22 =	vadd.f32 v1, v27;
	v27 =	vmul.f32 $1.215686280e-01, v30;
	v30 =	vld [tilespmem:s26+$0xC450];
	s26 =	smov.u32 s30  }
0x134: {  	v13 =	vadd.s32 v23, v13;
	v23 =	vadd.f32 v1, v29;
	v29 =	vmul.f32 $1.215686280e-01, v31;
	[tilespmem:v9+s18+$0x0] =	vst.idx.add.f32.msk $0xffff, v2  }
0x135: {  	v9 =	vadd.s32 v24, v21;
	v21 =	vadd.s32 v22, v26;
	v22 =	vadd.f32 v1, v27  }
0x136: {  	v17 =	vadd.s32 v23, v17;
	v23 =	vadd.f32 v1, v29;
	v24 =	vmul.f32 $1.215686280e-01, v28;
	[tilespmem:v8+s18+$0x0] =	vst.idx.add.f32.msk $0xffff, v2  }
0x137: {  	v8 =	vadd.s32 $0x4CC00000, v20;
	v20 =	vadd.s32 v22, v25;
	v22 =	vmul.f32 $1.215686280e-01, v32;
	[tilespmem:v7+s18+$0x0] =	vst.idx.add.f32.msk $0xffff, v2  }
0x138: {  	v7 =	vadd.s32 $0x4CC00000, v13;
	v13 =	vadd.s32 v23, v16;
	v16 =	vadd.f32 $1.258291200e+07, v24;
	[tilespmem:v6+s18+$0x0] =	vst.idx.add.f32.msk $0xffff, v2  }
0x139: {  	v21 =	vadd.s32 $0x4CC00000, v21;
	v23 =	vadd.s32 $0x4CC00000, v9;
	v6 =	vadd.f32 v1, v22;
	[tilespmem:v5+s18+$0x0] =	vst.idx.add.f32.msk $0xffff, v2  }
0x13a: {  	v17 =	vadd.s32 $0x4CC00000, v17;
	v20 =	vadd.s32 $0x4CC00000, v20;
	v5 =	vshll.u32 v16, $0x5;
	[tilespmem:v3+s18+$0x0] =	vst.idx.add.f32.msk $0xffff, v2  }
0x13b: {  	v13 =	vadd.s32 $0x4CC00000, v13;
	v3 =	vadd.s32 v6, v5;
	v5 =	vmul.f32 $1.215686280e-01, v30;
	[tilespmem:v4+s18+$0x0] =	vst.idx.add.f32.msk $0xffff, v2  }
0x13c: {  	v9 =	vadd.s32 $0x4CC00000, v11;
	[tilespmem:v8+s17+$0x0] =	vst.idx.add.f32.msk $0xffff, v2;
	v16 =	vadd.s32 $0x4CC00000, v3;
	v8 =	vadd.s32 $0x4CC00000, v19  }
0x13d: {  	v6 =	vadd.s32 $0x4CC00000, v18;
	[tilespmem:v7+s17+$0x0] =	vst.idx.add.f32.msk $0xffff, v2;
	v7 =	vadd.s32 $0x4CC00000, v12;
	v4 =	vadd.f32 v1, v5  }
0x13e: {  	v3 =	vadd.s32 $0x4CC00000, v14;
	v5 =	vadd.s32 $0x4CC00000, v15;
	[tilespmem:v23+s17+$0x0] =	vst.idx.add.f32.msk $0xffff, v2  }
0x13f: {  	[tilespmem:v21+s17+$0x0] =	vst.idx.add.f32.msk $0xffff, v2;
	v4 =	vadd.s32 v4, v10  }
0x140: {  	[tilespmem:v17+s17+$0x0] =	vst.idx.add.f32.msk $0xffff, v2;
	v4 =	vadd.s32 $0x4CC00000, v4  }
0x141: {  	[tilespmem:v16+s18+$0x0] =	vst.idx.add.f32.msk $0xffff, v2  }
0x142: {  	[tilespmem:v20+s17+$0x0] =	vst.idx.add.f32.msk $0xffff, v2  }
0x143: {  	[tilespmem:v13+s17+$0x0] =	vst.idx.add.f32.msk $0xffff, v2  }
0x144: {  	v10 =	vld [tilespmem:s26+$0x8010]  }
0x145: {  	v11 =	vld [tilespmem:s26+$0x8030]  }
0x146: {  	v12 =	vld [tilespmem:s26+$0x8050]  }
0x147: {  	v16 =	vld [tilespmem:s28+$0x8000]  }
0x148: {  	v20 =	vld [tilespmem:s26+$0x8410]  }
.Ltmp2:
0x149: {  	v10 =	vmul.f32 $1.215686280e-01, v10;
	v14 =	vld [tilespmem:s26+$0x8430];
	(pc) =	sbr.rel @p1 .LBB2_7-.Ltmp2, $4  }
0x14a: {  	v11 =	vmul.f32 $1.215686280e-01, v11;
	v13 =	vld [tilespmem:s26+$0x8450]  }
0x14b: {  	v15 =	vld [tilespmem:s26+$0xC010];
	v17 =	vadd.f32 $1.258291200e+07, v10;
	v21 =	vmul.f32 $1.215686280e-01, v12  }
0x14c: {  	v10 =	vld [tilespmem:s26+$0xC030];
	v19 =	vadd.f32 $1.258291200e+07, v11;
	v18 =	vmul.f32 $1.215686280e-01, v16  }
0x14d: {  	s29 =	sadd.s32 $0x800, s29;
	v11 =	vshll.u32 v17, $0x5;
	v12 =	vld [tilespmem:s26+$0xC050];
	v17 =	vadd.f32 $1.258291200e+07, v21;
	v16 =	vmul.f32 $1.215686280e-01, v20  }
0x14e: {  	v20 =	vld [tilespmem:s28+$0xC000]  }
0x14f: {  	v19 =	vshll.u32 v19, $0x5;
	v21 =	vld [tilespmem:s26+$0xC410]  }
0x150: {  	v18 =	vadd.f32 $1.258291200e+07, v18;
	v14 =	vmul.f32 $1.215686280e-01, v14;
	v22 =	vld [tilespmem:s26+$0xC430];
	v17 =	vshll.u32 v17, $0x5  }
0x151: {  	v54 =	vld [tilespmem:s26+$0xC450];
	v16 =	vadd.f32 $1.258291200e+07, v16;
	v13 =	vmul.f32 $1.215686280e-01, v13;
	v15 =	vmul.f32 $1.215686280e-01, v15  }
0x152: {  	v18 =	vshll.u32 v18, $0x5;
	v14 =	vadd.f32 $1.258291200e+07, v14;
	v10 =	vmul.f32 $1.215686280e-01, v10  }
0x153: {  	v16 =	vshll.u32 v16, $0x5;
	v13 =	vadd.f32 $1.258291200e+07, v13;
	v15 =	vadd.f32 v1, v15  }
0x154: {  	v12 =	vmul.f32 $1.215686280e-01, v12;
	v14 =	vshll.u32 v14, $0x5;
	v20 =	vmul.f32 $1.215686280e-01, v20  }
0x155: {  	[tilespmem:v9+s18+$0x0] =	vst.idx.add.f32.msk $0xffff, v2;
	v10 =	vadd.f32 v1, v10;
	v55 =	vmul.f32 $1.215686280e-01, v21;
	v57 =	vmul.f32 $1.215686280e-01, v22  }
0x156: {  	[tilespmem:v8+s18+$0x0] =	vst.idx.add.f32.msk $0xffff, v2;
	v59 =	vmul.f32 $1.215686280e-01, v54;
	v11 =	vadd.s32 v15, v11;
	v12 =	vadd.f32 v1, v12  }
0x157: {  	[tilespmem:v7+s18+$0x0] =	vst.idx.add.f32.msk $0xffff, v2;
	v10 =	vadd.s32 v10, v19;
	v56 =	vadd.f32 v1, v20;
	v58 =	vadd.s32 $0x4CC00000, v11  }
0x158: {  	[tilespmem:v6+s18+$0x0] =	vst.idx.add.f32.msk $0xffff, v2;
	v9 =	vadd.f32 v1, v55;
	v12 =	vadd.s32 v12, v17;
	v10 =	vadd.s32 $0x4CC00000, v10  }
0x159: {  	[tilespmem:v5+s18+$0x0] =	vst.idx.add.f32.msk $0xffff, v2;
	v8 =	vadd.f32 v1, v57;
	v60 =	vadd.s32 v56, v18;
	v61 =	vadd.s32 $0x4CC00000, v12  }
0x15a: {  	[tilespmem:v3+s18+$0x0] =	vst.idx.add.f32.msk $0xffff, v2;
	v6 =	vadd.f32 v1, v59;
	v9 =	vadd.s32 v9, v16;
	v3 =	vadd.s32 $0x4CC00000, v60  }
0x15b: {  	[tilespmem:v4+s18+$0x0] =	vst.idx.add.f32.msk $0xffff, v2;
	v62 =	vshll.u32 v13, $0x5;
	v8 =	vadd.s32 v8, v14;
	v63 =	vadd.s32 $0x4CC00000, v9  }
0x15c: {  	v6 =	vadd.s32 v6, v62;
	v8 =	vadd.s32 $0x4CC00000, v8;
	[tilespmem:v58+s18+$0x0] =	vst.idx.add.f32.msk $0xffff, v2  }
0x15d: {  	v6 =	vadd.s32 $0x4CC00000, v6;
	[tilespmem:v10+s18+$0x0] =	vst.idx.add.f32.msk $0xffff, v2  }
.Ltmp3:
0x15e: {  	[tilespmem:v61+s18+$0x0] =	vst.idx.add.f32.msk $0xffff, v2;
	(pc) =	sbr.rel @p0 .LBB2_9-.Ltmp3, $4  }
0x15f: {  	[tilespmem:v3+s18+$0x0] =	vst.idx.add.f32.msk $0xffff, v2  }
0x160: {  	[tilespmem:v63+s18+$0x0] =	vst.idx.add.f32.msk $0xffff, v2  }
0x161: {  	[tilespmem:v8+s18+$0x0] =	vst.idx.add.f32.msk $0xffff, v2  }
0x162: {  	[tilespmem:v6+s18+$0x0] =	vst.idx.add.f32.msk $0xffff, v2  }
0x163: {  	s1 =	sadd.s32 s24, s10  }
.Ltmp4:
0x164: {  	s1 =	sshrl.u32 s1, $0x3;
	(pc) =	sbr.rel .LBB2_4-.Ltmp4, $4  }
0x165: {  	s3 =	sadd.s32 s0, s1  }
0x166: {  	[tilespmem:s14], [sflag:$0x2] =	stream.linear.gather [hbm4b:s3+s4], $0x4000, $0x38;
	[tilespmem:$0x18000] =	vst v63  }
0x167: {  	s23 =	sadd.s32 $0x1, s23;
	s1 =	sadd.s32 s2, s1  }
0x168: {  	[tilespmem:s15], [sflag:$0x2] =	stream.linear.gather [hbm4b:s1+s4], $0x4000, $0x38;
	[tilespmem:$0x18000] =	vst v63  }
.LBB2_9:
0x169: {  	s22 =	simm.s32 $0x10020  }
0x16a: {  	s23 =	simm.s32 $0x14020;
	v8 =	vld [tilespmem:s22+$0x10]  }
0x16b: {  	v9 =	vld [tilespmem:s23+$0x10]  }
0x16c: {  	v5 =	vld [tilespmem:s23+$0xFFFFFFE0]  }
0x16d: {  	v3 =	vld [tilespmem:s22+$0xFFFFFFF0]  }
0x16e: {  	v7 =	vld [tilespmem:s23+$0xFFFFFFF0]  }
0x16f: {  	v4 =	vld [tilespmem:s22+$0x0]  }
0x170: {  	v6 =	vld [tilespmem:s23+$0x0];
	v9 =	vadd.f32 v9, v8  }
0x171: {  	s24 =	simm.s32 $0x0;
	s25 =	simm.s32 $0x10060;
	v8 =	vld [tilespmem:s22+$0xFFFFFFE0]  }
.LBB2_10:
0x172: {  	v10 =	vld [tilespmem:s25+$0x10];
	[tilespmem:s22+$0x10] =	vst v9;
	s23 =	sadd.s32 $0x40, s23  }
0x173: {  	s24 =	sadd.s32 $0x4, s24;
	v9 =	vld [tilespmem:s23+$0x10];
	v7 =	vadd.f32 v7, v3  }
0x174: {  	p0 =	slt.u32 s24, $0x3FC;
	v11 =	vld [tilespmem:s23+$0xFFFFFFE0]  }
.Ltmp5:
0x175: {  	v3 =	vld [tilespmem:s25+$0xFFFFFFF0];
	[tilespmem:s22+$0xFFFFFFF0] =	vst v7;
	v6 =	vadd.f32 v6, v4;
	(pc) =	sbr.rel @p0 .LBB2_10-.Ltmp5, $4  }
0x176: {  	v7 =	vld [tilespmem:s23+$0xFFFFFFF0];
	v12 =	vadd.f32 v5, v8  }
0x177: {  	v4 =	vld [tilespmem:s25+$0x0];
	[tilespmem:s22+$0x0] =	vst v6  }
0x178: {  	v6 =	vld [tilespmem:s23+$0x0];
	v9 =	vadd.f32 v9, v10;
	[tilespmem:s22+$0xFFFFFFE0] =	vst v12;
	s22 =	smov.u32 s25  }
0x179: {  	s25 =	sadd.s32 $0x40, s25;
	v8 =	vld [tilespmem:s22+$0xFFFFFFE0];
	v5 =	vmov v11  }
0x17a: {  	_ =	sdelay $0x1  }
0x17b: {  	v3 =	vadd.f32 v7, v3  }
0x17c: {  	[tilespmem:s22+$0x10] =	vst v9;
	v4 =	vadd.f32 v6, v4  }
0x17d: {  	s21 =	sadd.s32 $0x1, s21;
	[tilespmem:s22+$0xFFFFFFF0] =	vst v3;
	v3 =	vadd.f32 v5, v8  }
0x17e: {  	p0 =	sne.s32 s21, s12;
	[tilespmem:s22+$0x0] =	vst v4  }
.Ltmp6:
0x17f: {  	[tilespmem:s22+$0xFFFFFFE0] =	vst v3;
	(pc) =	sbr.rel @p0 .LBB2_1-.Ltmp6, $4  }
0x180: {  	[hbm4b:s11+s4] =	stream.linear.scatter [tilespmem:s17], [sflag:$0x3], $0x4000, $0x38;
	[tilespmem:$0x18000] =	vst v63  }
0x181: {  	_ =	swait.ge [sflag:s20], $0x4000  }
0x182: {  	[sflag:s20] =	ssyncset.done $0x0  }
0x183: {  	[sflag:s20] =	ssyncadd.s32 $0xFFFFC000  }
0x184: {  	_ =	sfence.sel $0x180000  }
0x185: {  	[bflag:$0x0] =	sbarrier.arrive $0xFFFF  }
0x186: {  	_ =	strace $0x90000047  }
0x187: {  	s0 =	stileid.u32;
	[bflag:$0x2] =	sbarrier.arrive $0xFFFF  }
0x188: {  	p0 =	sne.s32 s0, $0x0;
	s0 =	rddreg [dreg:$0x3]  }
0x189: {  	s0 =	sadd.s32 @!p0 $0x100000, s0  }
0x18a: {  	[sflag:s0] =	ssyncadd.tile.s32 @!p0 $0x1;
	_ =	shalt  }
.Lfunc_end2:
_tile_overlayer_lowered:
.L_overlay_start_2:
0x18b: {  	(tag) =	ssettag $0x2  }
0x18c: {  	s0 =	rddreg [dreg:$0x0];
	s2 =	stileid.u32  }
0x18d: {  	s1 =	rddreg [dreg:$0x1];
	p0 =	sne.s32 s2, $0x0  }
0x18e: {  	s3 =	rddreg [dreg:$0x2];
	[bflag:$0x3] =	sbarrier.arrive $0xFFFF;
	s2 =	simm.s32 @!p0 $0x1C03  }
0x18f: {  	[timem:s3], [sflag:s2] =	dma.local @!p0 [hbm:s0], s1  }
0x190: {  	s0 =	simm.s32 @!p0 $0x3  }
0x191: {  	_ =	swait.ge @!p0 [sflag:s0], s1  }
0x192: {  	s1 =	ssub.s32 @!p0 $0x0, s1;
	[sflag:s0] =	ssyncset.done @!p0 $0x0  }
0x193: {  	[sflag:s0] =	ssyncadd.s32 @!p0 s1  }
0x194: {  	[bflag:$0x3] =	sbarrier.arrive $0xFFFF  }
0x195: {  	_ =	shalt  }

</sc_bundles>
